<compile_context>
chip_gen: v7x
topology: tpu7x:2x2x1
jax: 0.10.2.dev20260603
libtpu: 0.0.44.dev20260713+nightly
codegen_flags: <defaults>
</compile_context>

<pallas_src>
import functools

import jax
import jax.numpy as jnp
from jax import lax
from jax.experimental import pallas as pl
from jax.experimental.pallas import tpu as pltpu
from jax.experimental.pallas import tpu_sc as plsc

N_NODES = 10000
N_EDGES = 320000
DIM = 128
NUM_GRAPHS = 64

NC = 2
NS = 16
NW = NC * NS
EDGES_PER_TILE = N_EDGES // NW
CHUNK = 125
NCHUNK = EDGES_PER_TILE // CHUNK
RPT = 624
TAIL_BASE = NS * RPT
TAIL = N_NODES - TAIL_BASE

_mesh = plsc.VectorSubcoreMesh(core_axis_name="c", subcore_axis_name="s")


DEGW = 128


@functools.partial(
    pl.kernel,
    mesh=_mesh,
    out_type=jax.ShapeDtypeStruct((NC, N_NODES, DEGW), jnp.float32),
    scratch_types=[
        pltpu.VMEM((NCHUNK, CHUNK), jnp.int32),
        pltpu.VMEM((CHUNK, DEGW), jnp.float32),
        pltpu.VMEM_SHARED((N_NODES, DEGW), jnp.float32),
    ],
)
def _deg_kernel(dst_hbm, ones_hbm, zeros_hbm, out_hbm, dst_v, ones_v, deg_sh):
    cid = lax.axis_index("c")
    sid = lax.axis_index("s")
    wid = cid * NS + sid
    rbase = sid * RPT

    pltpu.sync_copy(dst_hbm.at[pl.ds(wid * NCHUNK, NCHUNK)], dst_v)
    pltpu.sync_copy(ones_hbm, ones_v)
    pltpu.sync_copy(zeros_hbm.at[pl.ds(rbase, RPT)],
                    deg_sh.at[pl.ds(rbase, RPT)])

    @pl.when(sid == NS - 1)
    def _():
        pltpu.sync_copy(zeros_hbm.at[pl.ds(TAIL_BASE, TAIL)],
                        deg_sh.at[pl.ds(TAIL_BASE, TAIL)])

    plsc.subcore_barrier()

    def body(j, carry):
        pltpu.sync_copy(ones_v, deg_sh.at[dst_v.at[j]], add=True)
        return carry

    lax.fori_loop(0, NCHUNK, body, 0)
    plsc.subcore_barrier()
    pltpu.sync_copy(deg_sh.at[pl.ds(rbase, RPT)],
                    out_hbm.at[cid].at[pl.ds(rbase, RPT)])

    @pl.when(sid == NS - 1)
    def _():
        pltpu.sync_copy(deg_sh.at[pl.ds(TAIL_BASE, TAIL)],
                        out_hbm.at[cid].at[pl.ds(TAIL_BASE, TAIL)])


@functools.partial(
    pl.kernel,
    mesh=_mesh,
    out_type=jax.ShapeDtypeStruct((NC, N_NODES, DIM), jnp.float32),
    scratch_types=[
        pltpu.VMEM((NCHUNK // 2, CHUNK), jnp.int32),
        pltpu.VMEM((NCHUNK // 2, CHUNK), jnp.int32),
        pltpu.VMEM((CHUNK, DIM), jnp.float32),
        pltpu.VMEM((CHUNK, DIM), jnp.float32),
        pltpu.VMEM_SHARED((N_NODES, DIM), jnp.float32),
        pltpu.SemaphoreType.DMA,
        pltpu.SemaphoreType.DMA,
    ],
)
def _agg_kernel(y_hbm, src_hbm, dst_hbm, zeros_hbm, out_hbm,
                src_v, dst_v, rows_a, rows_b, acc_sh, sem_a, sem_b):
    cid = lax.axis_index("c")
    sid = lax.axis_index("s")
    wid = cid * NS + sid
    rbase = sid * RPT

    @pl.when(cid == 0)
    def _():
        pltpu.sync_copy(y_hbm.at[pl.ds(rbase, RPT)],
                        acc_sh.at[pl.ds(rbase, RPT)])

        @pl.when(sid == NS - 1)
        def _():
            pltpu.sync_copy(y_hbm.at[pl.ds(TAIL_BASE, TAIL)],
                            acc_sh.at[pl.ds(TAIL_BASE, TAIL)])

    @pl.when(cid == 1)
    def _():
        pltpu.sync_copy(zeros_hbm.at[pl.ds(rbase, RPT)],
                        acc_sh.at[pl.ds(rbase, RPT)])

        @pl.when(sid == NS - 1)
        def _():
            pltpu.sync_copy(zeros_hbm.at[pl.ds(TAIL_BASE, TAIL)],
                            acc_sh.at[pl.ds(TAIL_BASE, TAIL)])

    plsc.subcore_barrier()

    NH = NCHUNK // 2

    def fire(j, buf, sem):
        pltpu.async_copy(y_hbm.at[src_v.at[j]], buf, sem)

    def drain(j, buf, sem):
        pltpu.make_async_copy(y_hbm.at[src_v.at[j]], buf, sem).wait()

    for h in range(2):
        pltpu.sync_copy(src_hbm.at[pl.ds(wid * NCHUNK + h * NH, NH)], src_v)
        pltpu.sync_copy(dst_hbm.at[pl.ds(wid * NCHUNK + h * NH, NH)], dst_v)
        fire(0, rows_a, sem_a)

        def body(i, carry):
            j = 2 * i
            fire(j + 1, rows_b, sem_b)
            drain(j, rows_a, sem_a)
            pltpu.sync_copy(rows_a, acc_sh.at[dst_v.at[j]], add=True)
            fire(jnp.minimum(j + 2, NH - 1), rows_a, sem_a)
            drain(j + 1, rows_b, sem_b)
            pltpu.sync_copy(rows_b, acc_sh.at[dst_v.at[j + 1]], add=True)
            return carry

        lax.fori_loop(0, NH // 2, body, 0)
        drain(NH - 1, rows_a, sem_a)

    plsc.subcore_barrier()
    pltpu.sync_copy(acc_sh.at[pl.ds(rbase, RPT)],
                    out_hbm.at[cid].at[pl.ds(rbase, RPT)])

    @pl.when(sid == NS - 1)
    def _():
        pltpu.sync_copy(acc_sh.at[pl.ds(TAIL_BASE, TAIL)],
                        out_hbm.at[cid].at[pl.ds(TAIL_BASE, TAIL)])


_RB = 1000
_GRID = N_NODES // _RB

_tc_params = pltpu.CompilerParams(dimension_semantics=("arbitrary",))


def _tc_a_body(x_ref, w_ref, da_ref, db_ref, y_ref, dis_ref):
    d = da_ref[:, :1] + db_ref[:, :1] + 1.0
    dis = lax.rsqrt(d)
    xw = jnp.dot(x_ref[...], w_ref[...], preferred_element_type=jnp.float32)
    y_ref[...] = xw * dis
    dis_ref[...] = jnp.broadcast_to(dis, (_RB, 8))


def _tc_a(x, w1, deg_a, deg_b):
    return pl.pallas_call(
        _tc_a_body,
        grid=(_GRID,),
        in_specs=[
            pl.BlockSpec((_RB, DIM), lambda i: (i, 0)),
            pl.BlockSpec((DIM, DIM), lambda i: (0, 0)),
            pl.BlockSpec((_RB, DEGW), lambda i: (i, 0)),
            pl.BlockSpec((_RB, DEGW), lambda i: (i, 0)),
        ],
        out_specs=[
            pl.BlockSpec((_RB, DIM), lambda i: (i, 0)),
            pl.BlockSpec((_RB, 8), lambda i: (i, 0)),
        ],
        out_shape=[
            jax.ShapeDtypeStruct((N_NODES, DIM), jnp.float32),
            jax.ShapeDtypeStruct((N_NODES, 8), jnp.float32),
        ],
        compiler_params=_tc_params,
    )(x, w1, deg_a, deg_b)


def _tc_b_body(a0_ref, a1_ref, dis_ref, w_ref, b_ref, y_ref):
    dis = dis_ref[:, :1]
    h = jnp.maximum((a0_ref[...] + a1_ref[...]) * dis + b_ref[...], 0.0)
    y_ref[...] = jnp.dot(h, w_ref[...],
                         preferred_element_type=jnp.float32) * dis


def _tc_b(a0, a1, dis8, w2, b1):
    return pl.pallas_call(
        _tc_b_body,
        grid=(_GRID,),
        in_specs=[
            pl.BlockSpec((_RB, DIM), lambda i: (i, 0)),
            pl.BlockSpec((_RB, DIM), lambda i: (i, 0)),
            pl.BlockSpec((_RB, 8), lambda i: (i, 0)),
            pl.BlockSpec((DIM, DIM), lambda i: (0, 0)),
            pl.BlockSpec((1, DIM), lambda i: (0, 0)),
        ],
        out_specs=pl.BlockSpec((_RB, DIM), lambda i: (i, 0)),
        out_shape=jax.ShapeDtypeStruct((N_NODES, DIM), jnp.float32),
        compiler_params=_tc_params,
    )(a0, a1, dis8, w2, b1)


def _tc_c_body(a0_ref, a1_ref, dis_ref, b_ref, batch_ref, wl_ref, bl_ref,
               out_ref, sums_ref, cnt_ref):
    i = pl.program_id(0)

    @pl.when(i == 0)
    def _():
        sums_ref[...] = jnp.zeros_like(sums_ref)
        cnt_ref[...] = jnp.zeros_like(cnt_ref)

    dis = dis_ref[:, :1]
    h = jnp.maximum((a0_ref[...] + a1_ref[...]) * dis + b_ref[...], 0.0)
    gids = lax.broadcasted_iota(jnp.int32, (_RB, NUM_GRAPHS), 1)
    oh = (batch_ref[...] == gids).astype(jnp.float32)
    sums_ref[...] += lax.dot_general(
        oh, h, (((0,), (0,)), ((), ())), preferred_element_type=jnp.float32)
    cnt_ref[...] += jnp.sum(oh, axis=0)[:, None]

    @pl.when(i == _GRID - 1)
    def _():
        pooled = sums_ref[...] / jnp.maximum(cnt_ref[...], 1.0)
        out_ref[...] = jnp.dot(pooled, wl_ref[...],
                               preferred_element_type=jnp.float32) + bl_ref[...]


def _tc_c(a0, a1, dis8, b2, batch2d, wl, bl):
    return pl.pallas_call(
        _tc_c_body,
        grid=(_GRID,),
        in_specs=[
            pl.BlockSpec((_RB, DIM), lambda i: (i, 0)),
            pl.BlockSpec((_RB, DIM), lambda i: (i, 0)),
            pl.BlockSpec((_RB, 8), lambda i: (i, 0)),
            pl.BlockSpec((1, DIM), lambda i: (0, 0)),
            pl.BlockSpec((_RB, 1), lambda i: (i, 0)),
            pl.BlockSpec((DIM, 1), lambda i: (0, 0)),
            pl.BlockSpec((1, 1), lambda i: (0, 0)),
        ],
        out_specs=pl.BlockSpec((NUM_GRAPHS, 1), lambda i: (0, 0)),
        out_shape=jax.ShapeDtypeStruct((NUM_GRAPHS, 1), jnp.float32),
        scratch_shapes=[
            pltpu.VMEM((NUM_GRAPHS, DIM), jnp.float32),
            pltpu.VMEM((NUM_GRAPHS, 1), jnp.float32),
        ],
        compiler_params=_tc_params,
    )(a0, a1, dis8, b2, batch2d, wl, bl)


def kernel(x, edge_index, batch, W1, b1, W2, b2, Wl, bl):
    src2d = edge_index[0].astype(jnp.int32).reshape(NW * NCHUNK, CHUNK)
    dst2d = edge_index[1].astype(jnp.int32).reshape(NW * NCHUNK, CHUNK)

    zerosD = jnp.zeros((N_NODES, DIM), jnp.float32)
    onesW = jnp.ones((CHUNK, DEGW), jnp.float32)
    zerosW = jnp.zeros((N_NODES, DEGW), jnp.float32)

    deg = _deg_kernel(dst2d, onesW, zerosW)
    y1, dis8 = _tc_a(x, W1, deg[0], deg[1])

    acc1 = _agg_kernel(y1, src2d, dst2d, zerosD)
    y2 = _tc_b(acc1[0], acc1[1], dis8, W2, b1.reshape(1, DIM))

    acc2 = _agg_kernel(y2, src2d, dst2d, zerosD)
    out = _tc_c(acc2[0], acc2[1], dis8, b2.reshape(1, DIM),
                batch.astype(jnp.int32).reshape(N_NODES, 1),
                Wl, bl.reshape(1, 1))
    return out

# --- scband reference (transcript-rebuilt; emitter-appended) ---
"""Pipeline reference for scband-gcn-27754078667427 (READ-ONLY COPY).

The authoritative reference and input builder live on the scoring server;
editing this copy changes nothing except your own understanding.
"""

import jax, jax.numpy as jnp
import numpy as np

N_NODES = 10000
N_EDGES = 320000
DIM_IN = 128
DIM_H = 128
NUM_GRAPHS = 64


def gcn_conv(x, edge_index, W, b, num_nodes):
    # PyG-style GCNConv: add self-loops, symmetric normalization, scatter-add aggregation
    src = edge_index[0]
    dst = edge_index[1]
    loops = jnp.arange(num_nodes, dtype=edge_index.dtype)
    src = jnp.concatenate([src, loops])
    dst = jnp.concatenate([dst, loops])
    deg = jnp.zeros((num_nodes,), dtype=x.dtype).at[dst].add(1.0)
    deg_inv_sqrt = jnp.where(deg > 0, 1.0 / jnp.sqrt(deg), 0.0)
    norm = deg_inv_sqrt[src] * deg_inv_sqrt[dst]
    xw = x @ W
    msg = xw[src] * norm[:, None]
    out = jnp.zeros((num_nodes, W.shape[1]), dtype=x.dtype).at[dst].add(msg)
    return out + b


def setup_inputs(seed: int = 0) -> dict:
    key = jax.random.key(seed)
    k_x, k_e, k_b, k_w1, k_w2, k_wl = jax.random.split(key, 6)
    x = jax.random.normal(k_x, (N_NODES, DIM_IN), dtype=jnp.float32)
    edge_index = jax.random.randint(k_e, (2, N_EDGES), 0, N_NODES, dtype=jnp.int64)
    batch = jnp.sort(jax.random.randint(k_b, (N_NODES,), 0, NUM_GRAPHS, dtype=jnp.int64))
    s1 = 1.0 / np.sqrt(DIM_IN)
    s2 = 1.0 / np.sqrt(DIM_H)
    W1 = jax.random.uniform(k_w1, (DIM_IN, DIM_H), jnp.float32, -s1, s1)
    b1 = jnp.zeros((DIM_H,), dtype=jnp.float32)
    W2 = jax.random.uniform(k_w2, (DIM_H, DIM_H), jnp.float32, -s2, s2)
    b2 = jnp.zeros((DIM_H,), dtype=jnp.float32)
    Wl = jax.random.uniform(k_wl, (DIM_H, 1), jnp.float32, -s2, s2)
    bl = jnp.zeros((1,), dtype=jnp.float32)
    return {"x": x, "edge_index": edge_index, "batch": batch, "W1": W1, "b1": b1, "W2": W2, "b2": b2, "Wl": Wl, "bl": bl}


def reference(x, edge_index, batch, W1, b1, W2, b2, Wl, bl):
    h = jax.nn.relu(gcn_conv(x, edge_index, W1, b1, N_NODES))
    h = jax.nn.relu(gcn_conv(h, edge_index, W2, b2, N_NODES))
    sums = jax.ops.segment_sum(h, batch, num_segments=NUM_GRAPHS)
    cnt = jax.ops.segment_sum(jnp.ones((h.shape[0],), dtype=h.dtype), batch, num_segments=NUM_GRAPHS)
    pooled = sums / jnp.clip(cnt, 1.0)[:, None]
    return pooled @ Wl + bl

if __name__ == "__main__":
    import jax
    _d = setup_inputs()
    print(jax.jit(kernel)(*tuple(_d.values())))

</pallas_src>

<mosaic_0001>
#map = affine_map<(d0, d1) -> (0, 0)>
#map1 = affine_map<(d0, d1) -> (0, 0, 0)>
module attributes {stable_mosaic.version = 14 : i64} {
  func.func @_agg_kernel(%arg0: i32, %arg1: i32, %arg2: memref<10000x128xf32, #tpu.memory_space<hbm>>, %arg3: memref<2560x125xi32, #tpu.memory_space<hbm>>, %arg4: memref<2560x125xi32, #tpu.memory_space<hbm>>, %arg5: memref<10000x128xf32, #tpu.memory_space<hbm>>, %arg6: memref<2x10000x128xf32, #tpu.memory_space<hbm>>, %arg7: memref<40x125xi32, #tpu.memory_space<vmem>>, %arg8: memref<40x125xi32, #tpu.memory_space<vmem>>, %arg9: memref<125x128xf32, #tpu.memory_space<vmem>>, %arg10: memref<125x128xf32, #tpu.memory_space<vmem>>, %arg11: memref<10000x128xf32, #tpu.memory_space<vmem_shared>>, %arg12: memref<!tpu.dma_semaphore, #tpu.memory_space<semaphore_mem>>, %arg13: memref<!tpu.dma_semaphore, #tpu.memory_space<semaphore_mem>>) attributes {dimension_semantics = [#tpu.dimension_semantics<core_parallel>, #tpu.dimension_semantics<subcore_parallel>], iteration_bounds = array<i64: 2, 16>, scalar_prefetch = 0 : i64, scratch_operands = 7 : i64, tpu.core_type = #tpu.core_type<sc_vector_subcore>, window_params = [{transform_indices = #map}, {transform_indices = #map}, {transform_indices = #map}, {transform_indices = #map}, {transform_indices = #map1}]} {
    %mul3A = arith.constant 16 : i32
    %mul3A_0 = arith.muli %arg0, %mul3A : i32
    %add3A = arith.addi %mul3A_0, %arg1 : i32
    %mul3A_1 = arith.constant 624 : i32
    %mul3A_2 = arith.muli %arg1, %mul3A_1 : i32
    %eq3A = arith.constant 0 : i32
    %eq3A_3 = arith.cmpi eq, %arg0, %eq3A : i32
    %convert_element_type3A = arith.extui %eq3A_3 : i1 to i32
    %cond3A = arith.constant 0 : i32
    %cond3A_4 = arith.cmpi ne, %convert_element_type3A, %cond3A : i32
    scf.if %cond3A_4 {
      "tpu.region"() ({
        %run_scoped3A = tpu.sem_alloc : memref<!tpu.dma_semaphore, #tpu.memory_space<semaphore_mem>>
        %dma_start3A_74 = arith.constant 0 : i32
        %dma_start3A_75 = tpu.memref_slice %arg11[%mul3A_2, %dma_start3A_74] : memref<10000x128xf32, #tpu.memory_space<vmem_shared>> -> memref<624x128xf32, #tpu.memory_space<vmem_shared>>
        %dma_start3A_76 = arith.constant 0 : i32
        %dma_start3A_77 = tpu.memref_slice %arg2[%mul3A_2, %dma_start3A_76] : memref<10000x128xf32, #tpu.memory_space<hbm>> -> memref<624x128xf32, #tpu.memory_space<hbm>>
        tpu.enqueue_dma source(%dma_start3A_77 : memref<624x128xf32, #tpu.memory_space<hbm>>) target(%dma_start3A_75 : memref<624x128xf32, #tpu.memory_space<vmem_shared>>) target_semaphore(%run_scoped3A : memref<!tpu.dma_semaphore, #tpu.memory_space<semaphore_mem>>)
        %dma_wait3A_78 = arith.constant 0 : i32
        %dma_wait3A_79 = tpu.memref_slice %arg11[%mul3A_2, %dma_wait3A_78] : memref<10000x128xf32, #tpu.memory_space<vmem_shared>> -> memref<624x128xf32, #tpu.memory_space<vmem_shared>>
        %dma_wait3A_80 = arith.constant 0 : i32
        %dma_wait3A_81 = tpu.memref_slice %arg2[%mul3A_2, %dma_wait3A_80] : memref<10000x128xf32, #tpu.memory_space<hbm>> -> memref<624x128xf32, #tpu.memory_space<hbm>>
        tpu.wait_dma2 semaphore(%run_scoped3A : memref<!tpu.dma_semaphore, #tpu.memory_space<semaphore_mem>>) src(%dma_wait3A_81 : memref<624x128xf32, #tpu.memory_space<hbm>>) dst(%dma_wait3A_79 : memref<624x128xf32, #tpu.memory_space<vmem_shared>>)
        tpu.yield
      }) : () -> ()
      %eq3A_69 = arith.constant 15 : i32
      %eq3A_70 = arith.cmpi eq, %arg1, %eq3A_69 : i32
      %convert_element_type3A_71 = arith.extui %eq3A_70 : i1 to i32
      %cond3A_72 = arith.constant 0 : i32
      %cond3A_73 = arith.cmpi ne, %convert_element_type3A_71, %cond3A_72 : i32
      scf.if %cond3A_73 {
        "tpu.region"() ({
          %run_scoped3A = tpu.sem_alloc : memref<!tpu.dma_semaphore, #tpu.memory_space<semaphore_mem>>
          %dma_start3A_74 = arith.constant 9984 : i32
          %dma_start3A_75 = arith.constant 0 : i32
          %dma_start3A_76 = tpu.memref_slice %arg11[%dma_start3A_74, %dma_start3A_75] : memref<10000x128xf32, #tpu.memory_space<vmem_shared>> -> memref<16x128xf32, #tpu.memory_space<vmem_shared>>
          %dma_start3A_77 = arith.constant 9984 : i32
          %dma_start3A_78 = arith.constant 0 : i32
          %dma_start3A_79 = tpu.memref_slice %arg2[%dma_start3A_77, %dma_start3A_78] : memref<10000x128xf32, #tpu.memory_space<hbm>> -> memref<16x128xf32, #tpu.memory_space<hbm>>
          tpu.enqueue_dma source(%dma_start3A_79 : memref<16x128xf32, #tpu.memory_space<hbm>>) target(%dma_start3A_76 : memref<16x128xf32, #tpu.memory_space<vmem_shared>>) target_semaphore(%run_scoped3A : memref<!tpu.dma_semaphore, #tpu.memory_space<semaphore_mem>>)
          %dma_wait3A_80 = arith.constant 9984 : i32
          %dma_wait3A_81 = arith.constant 0 : i32
          %dma_wait3A_82 = tpu.memref_slice %arg11[%dma_wait3A_80, %dma_wait3A_81] : memref<10000x128xf32, #tpu.memory_space<vmem_shared>> -> memref<16x128xf32, #tpu.memory_space<vmem_shared>>
          %dma_wait3A_83 = arith.constant 9984 : i32
          %dma_wait3A_84 = arith.constant 0 : i32
          %dma_wait3A_85 = tpu.memref_slice %arg2[%dma_wait3A_83, %dma_wait3A_84] : memref<10000x128xf32, #tpu.memory_space<hbm>> -> memref<16x128xf32, #tpu.memory_space<hbm>>
          tpu.wait_dma2 semaphore(%run_scoped3A : memref<!tpu.dma_semaphore, #tpu.memory_space<semaphore_mem>>) src(%dma_wait3A_85 : memref<16x128xf32, #tpu.memory_space<hbm>>) dst(%dma_wait3A_82 : memref<16x128xf32, #tpu.memory_space<vmem_shared>>)
          tpu.yield
        }) : () -> ()
      } else {
      }
    } else {
    }
    %eq3A_5 = arith.constant 1 : i32
    %eq3A_6 = arith.cmpi eq, %arg0, %eq3A_5 : i32
    %convert_element_type3A_7 = arith.extui %eq3A_6 : i1 to i32
    %cond3A_8 = arith.constant 0 : i32
    %cond3A_9 = arith.cmpi ne, %convert_element_type3A_7, %cond3A_8 : i32
    scf.if %cond3A_9 {
      "tpu.region"() ({
        %run_scoped3A = tpu.sem_alloc : memref<!tpu.dma_semaphore, #tpu.memory_space<semaphore_mem>>
        %dma_start3A_74 = arith.constant 0 : i32
        %dma_start3A_75 = tpu.memref_slice %arg11[%mul3A_2, %dma_start3A_74] : memref<10000x128xf32, #tpu.memory_space<vmem_shared>> -> memref<624x128xf32, #tpu.memory_space<vmem_shared>>
        %dma_start3A_76 = arith.constant 0 : i32
        %dma_start3A_77 = tpu.memref_slice %arg5[%mul3A_2, %dma_start3A_76] : memref<10000x128xf32, #tpu.memory_space<hbm>> -> memref<624x128xf32, #tpu.memory_space<hbm>>
        tpu.enqueue_dma source(%dma_start3A_77 : memref<624x128xf32, #tpu.memory_space<hbm>>) target(%dma_start3A_75 : memref<624x128xf32, #tpu.memory_space<vmem_shared>>) target_semaphore(%run_scoped3A : memref<!tpu.dma_semaphore, #tpu.memory_space<semaphore_mem>>)
        %dma_wait3A_78 = arith.constant 0 : i32
        %dma_wait3A_79 = tpu.memref_slice %arg11[%mul3A_2, %dma_wait3A_78] : memref<10000x128xf32, #tpu.memory_space<vmem_shared>> -> memref<624x128xf32, #tpu.memory_space<vmem_shared>>
        %dma_wait3A_80 = arith.constant 0 : i32
        %dma_wait3A_81 = tpu.memref_slice %arg5[%mul3A_2, %dma_wait3A_80] : memref<10000x128xf32, #tpu.memory_space<hbm>> -> memref<624x128xf32, #tpu.memory_space<hbm>>
        tpu.wait_dma2 semaphore(%run_scoped3A : memref<!tpu.dma_semaphore, #tpu.memory_space<semaphore_mem>>) src(%dma_wait3A_81 : memref<624x128xf32, #tpu.memory_space<hbm>>) dst(%dma_wait3A_79 : memref<624x128xf32, #tpu.memory_space<vmem_shared>>)
        tpu.yield
      }) : () -> ()
      %eq3A_69 = arith.constant 15 : i32
      %eq3A_70 = arith.cmpi eq, %arg1, %eq3A_69 : i32
      %convert_element_type3A_71 = arith.extui %eq3A_70 : i1 to i32
      %cond3A_72 = arith.constant 0 : i32
      %cond3A_73 = arith.cmpi ne, %convert_element_type3A_71, %cond3A_72 : i32
      scf.if %cond3A_73 {
        "tpu.region"() ({
          %run_scoped3A = tpu.sem_alloc : memref<!tpu.dma_semaphore, #tpu.memory_space<semaphore_mem>>
          %dma_start3A_74 = arith.constant 9984 : i32
          %dma_start3A_75 = arith.constant 0 : i32
          %dma_start3A_76 = tpu.memref_slice %arg11[%dma_start3A_74, %dma_start3A_75] : memref<10000x128xf32, #tpu.memory_space<vmem_shared>> -> memref<16x128xf32, #tpu.memory_space<vmem_shared>>
          %dma_start3A_77 = arith.constant 9984 : i32
          %dma_start3A_78 = arith.constant 0 : i32
          %dma_start3A_79 = tpu.memref_slice %arg5[%dma_start3A_77, %dma_start3A_78] : memref<10000x128xf32, #tpu.memory_space<hbm>> -> memref<16x128xf32, #tpu.memory_space<hbm>>
          tpu.enqueue_dma source(%dma_start3A_79 : memref<16x128xf32, #tpu.memory_space<hbm>>) target(%dma_start3A_76 : memref<16x128xf32, #tpu.memory_space<vmem_shared>>) target_semaphore(%run_scoped3A : memref<!tpu.dma_semaphore, #tpu.memory_space<semaphore_mem>>)
          %dma_wait3A_80 = arith.constant 9984 : i32
          %dma_wait3A_81 = arith.constant 0 : i32
          %dma_wait3A_82 = tpu.memref_slice %arg11[%dma_wait3A_80, %dma_wait3A_81] : memref<10000x128xf32, #tpu.memory_space<vmem_shared>> -> memref<16x128xf32, #tpu.memory_space<vmem_shared>>
          %dma_wait3A_83 = arith.constant 9984 : i32
          %dma_wait3A_84 = arith.constant 0 : i32
          %dma_wait3A_85 = tpu.memref_slice %arg5[%dma_wait3A_83, %dma_wait3A_84] : memref<10000x128xf32, #tpu.memory_space<hbm>> -> memref<16x128xf32, #tpu.memory_space<hbm>>
          tpu.wait_dma2 semaphore(%run_scoped3A : memref<!tpu.dma_semaphore, #tpu.memory_space<semaphore_mem>>) src(%dma_wait3A_85 : memref<16x128xf32, #tpu.memory_space<hbm>>) dst(%dma_wait3A_82 : memref<16x128xf32, #tpu.memory_space<vmem_shared>>)
          tpu.yield
        }) : () -> ()
      } else {
      }
    } else {
    }
    %barrier3A = arith.constant 0 : index
    tpu.barrier barrier_id(%barrier3A)
    %mul3A_10 = arith.constant 80 : i32
    %mul3A_11 = arith.muli %add3A, %mul3A_10 : i32
    %add3A_12 = arith.constant 0 : i32
    %add3A_13 = arith.addi %mul3A_11, %add3A_12 : i32
    "tpu.region"() ({
      %run_scoped3A = tpu.sem_alloc : memref<!tpu.dma_semaphore, #tpu.memory_space<semaphore_mem>>
      %dma_start3A_69 = arith.constant 0 : i32
      %dma_start3A_70 = tpu.memref_slice %arg3[%add3A_13, %dma_start3A_69] : memref<2560x125xi32, #tpu.memory_space<hbm>> -> memref<40x125xi32, #tpu.memory_space<hbm>>
      %dma_start3A_71 = arith.constant 0 : i32
      %dma_start3A_72 = tpu.memref_slice %arg3[%add3A_13, %dma_start3A_71] : memref<2560x125xi32, #tpu.memory_space<hbm>> -> memref<40x125xi32, #tpu.memory_space<hbm>>
      tpu.enqueue_dma source(%dma_start3A_72 : memref<40x125xi32, #tpu.memory_space<hbm>>) target(%arg7 : memref<40x125xi32, #tpu.memory_space<vmem>>) target_semaphore(%run_scoped3A : memref<!tpu.dma_semaphore, #tpu.memory_space<semaphore_mem>>)
      %dma_wait3A_73 = arith.constant 0 : i32
      %dma_wait3A_74 = tpu.memref_slice %arg3[%add3A_13, %dma_wait3A_73] : memref<2560x125xi32, #tpu.memory_space<hbm>> -> memref<40x125xi32, #tpu.memory_space<hbm>>
      %dma_wait3A_75 = arith.constant 0 : i32
      %dma_wait3A_76 = tpu.memref_slice %arg3[%add3A_13, %dma_wait3A_75] : memref<2560x125xi32, #tpu.memory_space<hbm>> -> memref<40x125xi32, #tpu.memory_space<hbm>>
      tpu.wait_dma2 semaphore(%run_scoped3A : memref<!tpu.dma_semaphore, #tpu.memory_space<semaphore_mem>>) src(%dma_wait3A_76 : memref<40x125xi32, #tpu.memory_space<hbm>>) dst(%arg7 : memref<40x125xi32, #tpu.memory_space<vmem>>)
      tpu.yield
    }) : () -> ()
    %mul3A_14 = arith.constant 80 : i32
    %mul3A_15 = arith.muli %add3A, %mul3A_14 : i32
    %add3A_16 = arith.constant 0 : i32
    %add3A_17 = arith.addi %mul3A_15, %add3A_16 : i32
    "tpu.region"() ({
      %run_scoped3A = tpu.sem_alloc : memref<!tpu.dma_semaphore, #tpu.memory_space<semaphore_mem>>
      %dma_start3A_69 = arith.constant 0 : i32
      %dma_start3A_70 = tpu.memref_slice %arg4[%add3A_17, %dma_start3A_69] : memref<2560x125xi32, #tpu.memory_space<hbm>> -> memref<40x125xi32, #tpu.memory_space<hbm>>
      %dma_start3A_71 = arith.constant 0 : i32
      %dma_start3A_72 = tpu.memref_slice %arg4[%add3A_17, %dma_start3A_71] : memref<2560x125xi32, #tpu.memory_space<hbm>> -> memref<40x125xi32, #tpu.memory_space<hbm>>
      tpu.enqueue_dma source(%dma_start3A_72 : memref<40x125xi32, #tpu.memory_space<hbm>>) target(%arg8 : memref<40x125xi32, #tpu.memory_space<vmem>>) target_semaphore(%run_scoped3A : memref<!tpu.dma_semaphore, #tpu.memory_space<semaphore_mem>>)
      %dma_wait3A_73 = arith.constant 0 : i32
      %dma_wait3A_74 = tpu.memref_slice %arg4[%add3A_17, %dma_wait3A_73] : memref<2560x125xi32, #tpu.memory_space<hbm>> -> memref<40x125xi32, #tpu.memory_space<hbm>>
      %dma_wait3A_75 = arith.constant 0 : i32
      %dma_wait3A_76 = tpu.memref_slice %arg4[%add3A_17, %dma_wait3A_75] : memref<2560x125xi32, #tpu.memory_space<hbm>> -> memref<40x125xi32, #tpu.memory_space<hbm>>
      tpu.wait_dma2 semaphore(%run_scoped3A : memref<!tpu.dma_semaphore, #tpu.memory_space<semaphore_mem>>) src(%dma_wait3A_76 : memref<40x125xi32, #tpu.memory_space<hbm>>) dst(%arg8 : memref<40x125xi32, #tpu.memory_space<vmem>>)
      tpu.yield
    }) : () -> ()
    %dma_start3A = arith.constant 0 : i32
    %dma_start3A_18 = arith.constant 0 : i32
    %dma_start3A_19 = tpu.memref_slice %arg7[%dma_start3A, %dma_start3A_18] : memref<40x125xi32, #tpu.memory_space<vmem>> -> memref<1x125xi32, #tpu.memory_space<vmem>>
    %dma_start3A_20 = tpu.memref_squeeze %dma_start3A_19 : memref<1x125xi32, #tpu.memory_space<vmem>> -> memref<125xi32, #tpu.memory_space<vmem>>
    %dma_start3A_21 = arith.constant 0 : i32
    %dma_start3A_22 = arith.constant 0 : i32
    %dma_start3A_23 = tpu.memref_slice %arg2[%dma_start3A_21, %dma_start3A_22] : memref<10000x128xf32, #tpu.memory_space<hbm>> -> memref<10000x128xf32, #tpu.memory_space<hbm>>
    tpu.enqueue_indirect_dma source(%dma_start3A_23 : memref<10000x128xf32, #tpu.memory_space<hbm>>) target(%arg9 : memref<125x128xf32, #tpu.memory_space<vmem>>) offsets(%dma_start3A_20 : memref<125xi32, #tpu.memory_space<vmem>>) semaphore(%arg12 : memref<!tpu.dma_semaphore, #tpu.memory_space<semaphore_mem>>)
    %scan3A = arith.constant 0 : i32
    %scan3A_24 = arith.constant 0 : i32
    %scan3A_25 = arith.constant 20 : i32
    %scan3A_26 = arith.addi %scan3A_24, %scan3A_25 : i32
    %scan3A_27 = arith.constant 1 : i32
    scf.for %scan3A_69 = %scan3A_24 to %scan3A_26 step %scan3A_27  : i32 {
      %mul3A_70 = arith.constant 2 : i32
      %mul3A_71 = arith.muli %mul3A_70, %scan3A_69 : i32
      %add3A_72 = arith.constant 1 : i32
      %add3A_73 = arith.addi %mul3A_71, %add3A_72 : i32
      %dma_start3A_74 = arith.constant 0 : i32
      %dma_start3A_75 = tpu.memref_slice %arg7[%add3A_73, %dma_start3A_74] : memref<40x125xi32, #tpu.memory_space<vmem>> -> memref<1x125xi32, #tpu.memory_space<vmem>>
      %dma_start3A_76 = tpu.memref_squeeze %dma_start3A_75 : memref<1x125xi32, #tpu.memory_space<vmem>> -> memref<125xi32, #tpu.memory_space<vmem>>
      %dma_start3A_77 = arith.constant 0 : i32
      %dma_start3A_78 = arith.constant 0 : i32
      %dma_start3A_79 = tpu.memref_slice %arg2[%dma_start3A_77, %dma_start3A_78] : memref<10000x128xf32, #tpu.memory_space<hbm>> -> memref<10000x128xf32, #tpu.memory_space<hbm>>
      tpu.enqueue_indirect_dma source(%dma_start3A_79 : memref<10000x128xf32, #tpu.memory_space<hbm>>) target(%arg10 : memref<125x128xf32, #tpu.memory_space<vmem>>) offsets(%dma_start3A_76 : memref<125xi32, #tpu.memory_space<vmem>>) semaphore(%arg13 : memref<!tpu.dma_semaphore, #tpu.memory_space<semaphore_mem>>)
      %dma_wait3A_80 = arith.constant 0 : i32
      %dma_wait3A_81 = tpu.memref_slice %arg7[%mul3A_71, %dma_wait3A_80] : memref<40x125xi32, #tpu.memory_space<vmem>> -> memref<1x125xi32, #tpu.memory_space<vmem>>
      %dma_wait3A_82 = tpu.memref_squeeze %dma_wait3A_81 : memref<1x125xi32, #tpu.memory_space<vmem>> -> memref<125xi32, #tpu.memory_space<vmem>>
      %dma_wait3A_83 = arith.constant 0 : i32
      %dma_wait3A_84 = arith.constant 0 : i32
      %dma_wait3A_85 = tpu.memref_slice %arg2[%dma_wait3A_83, %dma_wait3A_84] : memref<10000x128xf32, #tpu.memory_space<hbm>> -> memref<10000x128xf32, #tpu.memory_space<hbm>>
      tpu.wait_indirect_dma semaphore(%arg12 : memref<!tpu.dma_semaphore, #tpu.memory_space<semaphore_mem>>) src(%dma_wait3A_85 : memref<10000x128xf32, #tpu.memory_space<hbm>>) dst(%arg9 : memref<125x128xf32, #tpu.memory_space<vmem>>)
      "tpu.region"() ({
        %run_scoped3A = tpu.sem_alloc : memref<!tpu.dma_semaphore, #tpu.memory_space<semaphore_mem>>
        %dma_start3A_105 = arith.constant 0 : i32
        %dma_start3A_106 = tpu.memref_slice %arg8[%mul3A_71, %dma_start3A_105] : memref<40x125xi32, #tpu.memory_space<vmem>> -> memref<1x125xi32, #tpu.memory_space<vmem>>
        %dma_start3A_107 = tpu.memref_squeeze %dma_start3A_106 : memref<1x125xi32, #tpu.memory_space<vmem>> -> memref<125xi32, #tpu.memory_space<vmem>>
        %dma_start3A_108 = arith.constant 0 : i32
        %dma_start3A_109 = arith.constant 0 : i32
        %dma_start3A_110 = tpu.memref_slice %arg11[%dma_start3A_108, %dma_start3A_109] : memref<10000x128xf32, #tpu.memory_space<vmem_shared>> -> memref<10000x128xf32, #tpu.memory_space<vmem_shared>>
        tpu.enqueue_indirect_dma source(%arg9 : memref<125x128xf32, #tpu.memory_space<vmem>>) target(%dma_start3A_110 : memref<10000x128xf32, #tpu.memory_space<vmem_shared>>) offsets(%dma_start3A_107 : memref<125xi32, #tpu.memory_space<vmem>>) semaphore(%run_scoped3A : memref<!tpu.dma_semaphore, #tpu.memory_space<semaphore_mem>>) {add = true}
        %dma_wait3A_111 = arith.constant 0 : i32
        %dma_wait3A_112 = tpu.memref_slice %arg8[%mul3A_71, %dma_wait3A_111] : memref<40x125xi32, #tpu.memory_space<vmem>> -> memref<1x125xi32, #tpu.memory_space<vmem>>
        %dma_wait3A_113 = tpu.memref_squeeze %dma_wait3A_112 : memref<1x125xi32, #tpu.memory_space<vmem>> -> memref<125xi32, #tpu.memory_space<vmem>>
        %dma_wait3A_114 = arith.constant 0 : i32
        %dma_wait3A_115 = arith.constant 0 : i32
        %dma_wait3A_116 = tpu.memref_slice %arg11[%dma_wait3A_114, %dma_wait3A_115] : memref<10000x128xf32, #tpu.memory_space<vmem_shared>> -> memref<10000x128xf32, #tpu.memory_space<vmem_shared>>
        tpu.wait_indirect_dma semaphore(%run_scoped3A : memref<!tpu.dma_semaphore, #tpu.memory_space<semaphore_mem>>) src(%arg9 : memref<125x128xf32, #tpu.memory_space<vmem>>) dst(%dma_wait3A_116 : memref<10000x128xf32, #tpu.memory_space<vmem_shared>>)
        tpu.yield
      }) : () -> ()
      %add3A_86 = arith.constant 2 : i32
      %add3A_87 = arith.addi %mul3A_71, %add3A_86 : i32
      %min3A = arith.constant 39 : i32
      %min3A_88 = arith.minsi %add3A_87, %min3A : i32
      %dma_start3A_89 = arith.constant 0 : i32
      %dma_start3A_90 = tpu.memref_slice %arg7[%min3A_88, %dma_start3A_89] : memref<40x125xi32, #tpu.memory_space<vmem>> -> memref<1x125xi32, #tpu.memory_space<vmem>>
      %dma_start3A_91 = tpu.memref_squeeze %dma_start3A_90 : memref<1x125xi32, #tpu.memory_space<vmem>> -> memref<125xi32, #tpu.memory_space<vmem>>
      %dma_start3A_92 = arith.constant 0 : i32
      %dma_start3A_93 = arith.constant 0 : i32
      %dma_start3A_94 = tpu.memref_slice %arg2[%dma_start3A_92, %dma_start3A_93] : memref<10000x128xf32, #tpu.memory_space<hbm>> -> memref<10000x128xf32, #tpu.memory_space<hbm>>
      tpu.enqueue_indirect_dma source(%dma_start3A_94 : memref<10000x128xf32, #tpu.memory_space<hbm>>) target(%arg9 : memref<125x128xf32, #tpu.memory_space<vmem>>) offsets(%dma_start3A_91 : memref<125xi32, #tpu.memory_space<vmem>>) semaphore(%arg12 : memref<!tpu.dma_semaphore, #tpu.memory_space<semaphore_mem>>)
      %add3A_95 = arith.constant 1 : i32
      %add3A_96 = arith.addi %mul3A_71, %add3A_95 : i32
      %dma_wait3A_97 = arith.constant 0 : i32
      %dma_wait3A_98 = tpu.memref_slice %arg7[%add3A_96, %dma_wait3A_97] : memref<40x125xi32, #tpu.memory_space<vmem>> -> memref<1x125xi32, #tpu.memory_space<vmem>>
      %dma_wait3A_99 = tpu.memref_squeeze %dma_wait3A_98 : memref<1x125xi32, #tpu.memory_space<vmem>> -> memref<125xi32, #tpu.memory_space<vmem>>
      %dma_wait3A_100 = arith.constant 0 : i32
      %dma_wait3A_101 = arith.constant 0 : i32
      %dma_wait3A_102 = tpu.memref_slice %arg2[%dma_wait3A_100, %dma_wait3A_101] : memref<10000x128xf32, #tpu.memory_space<hbm>> -> memref<10000x128xf32, #tpu.memory_space<hbm>>
      tpu.wait_indirect_dma semaphore(%arg13 : memref<!tpu.dma_semaphore, #tpu.memory_space<semaphore_mem>>) src(%dma_wait3A_102 : memref<10000x128xf32, #tpu.memory_space<hbm>>) dst(%arg10 : memref<125x128xf32, #tpu.memory_space<vmem>>)
      %add3A_103 = arith.constant 1 : i32
      %add3A_104 = arith.addi %mul3A_71, %add3A_103 : i32
      "tpu.region"() ({
        %run_scoped3A = tpu.sem_alloc : memref<!tpu.dma_semaphore, #tpu.memory_space<semaphore_mem>>
        %dma_start3A_105 = arith.constant 0 : i32
        %dma_start3A_106 = tpu.memref_slice %arg8[%add3A_104, %dma_start3A_105] : memref<40x125xi32, #tpu.memory_space<vmem>> -> memref<1x125xi32, #tpu.memory_space<vmem>>
        %dma_start3A_107 = tpu.memref_squeeze %dma_start3A_106 : memref<1x125xi32, #tpu.memory_space<vmem>> -> memref<125xi32, #tpu.memory_space<vmem>>
        %dma_start3A_108 = arith.constant 0 : i32
        %dma_start3A_109 = arith.constant 0 : i32
        %dma_start3A_110 = tpu.memref_slice %arg11[%dma_start3A_108, %dma_start3A_109] : memref<10000x128xf32, #tpu.memory_space<vmem_shared>> -> memref<10000x128xf32, #tpu.memory_space<vmem_shared>>
        tpu.enqueue_indirect_dma source(%arg10 : memref<125x128xf32, #tpu.memory_space<vmem>>) target(%dma_start3A_110 : memref<10000x128xf32, #tpu.memory_space<vmem_shared>>) offsets(%dma_start3A_107 : memref<125xi32, #tpu.memory_space<vmem>>) semaphore(%run_scoped3A : memref<!tpu.dma_semaphore, #tpu.memory_space<semaphore_mem>>) {add = true}
        %dma_wait3A_111 = arith.constant 0 : i32
        %dma_wait3A_112 = tpu.memref_slice %arg8[%add3A_104, %dma_wait3A_111] : memref<40x125xi32, #tpu.memory_space<vmem>> -> memref<1x125xi32, #tpu.memory_space<vmem>>
        %dma_wait3A_113 = tpu.memref_squeeze %dma_wait3A_112 : memref<1x125xi32, #tpu.memory_space<vmem>> -> memref<125xi32, #tpu.memory_space<vmem>>
        %dma_wait3A_114 = arith.constant 0 : i32
        %dma_wait3A_115 = arith.constant 0 : i32
        %dma_wait3A_116 = tpu.memref_slice %arg11[%dma_wait3A_114, %dma_wait3A_115] : memref<10000x128xf32, #tpu.memory_space<vmem_shared>> -> memref<10000x128xf32, #tpu.memory_space<vmem_shared>>
        tpu.wait_indirect_dma semaphore(%run_scoped3A : memref<!tpu.dma_semaphore, #tpu.memory_space<semaphore_mem>>) src(%arg10 : memref<125x128xf32, #tpu.memory_space<vmem>>) dst(%dma_wait3A_116 : memref<10000x128xf32, #tpu.memory_space<vmem_shared>>)
        tpu.yield
      }) : () -> ()
    }
    %scan3A_28 = arith.constant 20 : i32
    %dma_wait3A = arith.constant 39 : i32
    %dma_wait3A_29 = arith.constant 0 : i32
    %dma_wait3A_30 = tpu.memref_slice %arg7[%dma_wait3A, %dma_wait3A_29] : memref<40x125xi32, #tpu.memory_space<vmem>> -> memref<1x125xi32, #tpu.memory_space<vmem>>
    %dma_wait3A_31 = tpu.memref_squeeze %dma_wait3A_30 : memref<1x125xi32, #tpu.memory_space<vmem>> -> memref<125xi32, #tpu.memory_space<vmem>>
    %dma_wait3A_32 = arith.constant 0 : i32
    %dma_wait3A_33 = arith.constant 0 : i32
    %dma_wait3A_34 = tpu.memref_slice %arg2[%dma_wait3A_32, %dma_wait3A_33] : memref<10000x128xf32, #tpu.memory_space<hbm>> -> memref<10000x128xf32, #tpu.memory_space<hbm>>
    tpu.wait_indirect_dma semaphore(%arg12 : memref<!tpu.dma_semaphore, #tpu.memory_space<semaphore_mem>>) src(%dma_wait3A_34 : memref<10000x128xf32, #tpu.memory_space<hbm>>) dst(%arg9 : memref<125x128xf32, #tpu.memory_space<vmem>>)
    %mul3A_35 = arith.constant 80 : i32
    %mul3A_36 = arith.muli %add3A, %mul3A_35 : i32
    %add3A_37 = arith.constant 40 : i32
    %add3A_38 = arith.addi %mul3A_36, %add3A_37 : i32
    "tpu.region"() ({
      %run_scoped3A = tpu.sem_alloc : memref<!tpu.dma_semaphore, #tpu.memory_space<semaphore_mem>>
      %dma_start3A_69 = arith.constant 0 : i32
      %dma_start3A_70 = tpu.memref_slice %arg3[%add3A_38, %dma_start3A_69] : memref<2560x125xi32, #tpu.memory_space<hbm>> -> memref<40x125xi32, #tpu.memory_space<hbm>>
      %dma_start3A_71 = arith.constant 0 : i32
      %dma_start3A_72 = tpu.memref_slice %arg3[%add3A_38, %dma_start3A_71] : memref<2560x125xi32, #tpu.memory_space<hbm>> -> memref<40x125xi32, #tpu.memory_space<hbm>>
      tpu.enqueue_dma source(%dma_start3A_72 : memref<40x125xi32, #tpu.memory_space<hbm>>) target(%arg7 : memref<40x125xi32, #tpu.memory_space<vmem>>) target_semaphore(%run_scoped3A : memref<!tpu.dma_semaphore, #tpu.memory_space<semaphore_mem>>)
      %dma_wait3A_73 = arith.constant 0 : i32
      %dma_wait3A_74 = tpu.memref_slice %arg3[%add3A_38, %dma_wait3A_73] : memref<2560x125xi32, #tpu.memory_space<hbm>> -> memref<40x125xi32, #tpu.memory_space<hbm>>
      %dma_wait3A_75 = arith.constant 0 : i32
      %dma_wait3A_76 = tpu.memref_slice %arg3[%add3A_38, %dma_wait3A_75] : memref<2560x125xi32, #tpu.memory_space<hbm>> -> memref<40x125xi32, #tpu.memory_space<hbm>>
      tpu.wait_dma2 semaphore(%run_scoped3A : memref<!tpu.dma_semaphore, #tpu.memory_space<semaphore_mem>>) src(%dma_wait3A_76 : memref<40x125xi32, #tpu.memory_space<hbm>>) dst(%arg7 : memref<40x125xi32, #tpu.memory_space<vmem>>)
      tpu.yield
    }) : () -> ()
    %mul3A_39 = arith.constant 80 : i32
    %mul3A_40 = arith.muli %add3A, %mul3A_39 : i32
    %add3A_41 = arith.constant 40 : i32
    %add3A_42 = arith.addi %mul3A_40, %add3A_41 : i32
    "tpu.region"() ({
      %run_scoped3A = tpu.sem_alloc : memref<!tpu.dma_semaphore, #tpu.memory_space<semaphore_mem>>
      %dma_start3A_69 = arith.constant 0 : i32
      %dma_start3A_70 = tpu.memref_slice %arg4[%add3A_42, %dma_start3A_69] : memref<2560x125xi32, #tpu.memory_space<hbm>> -> memref<40x125xi32, #tpu.memory_space<hbm>>
      %dma_start3A_71 = arith.constant 0 : i32
      %dma_start3A_72 = tpu.memref_slice %arg4[%add3A_42, %dma_start3A_71] : memref<2560x125xi32, #tpu.memory_space<hbm>> -> memref<40x125xi32, #tpu.memory_space<hbm>>
      tpu.enqueue_dma source(%dma_start3A_72 : memref<40x125xi32, #tpu.memory_space<hbm>>) target(%arg8 : memref<40x125xi32, #tpu.memory_space<vmem>>) target_semaphore(%run_scoped3A : memref<!tpu.dma_semaphore, #tpu.memory_space<semaphore_mem>>)
      %dma_wait3A_73 = arith.constant 0 : i32
      %dma_wait3A_74 = tpu.memref_slice %arg4[%add3A_42, %dma_wait3A_73] : memref<2560x125xi32, #tpu.memory_space<hbm>> -> memref<40x125xi32, #tpu.memory_space<hbm>>
      %dma_wait3A_75 = arith.constant 0 : i32
      %dma_wait3A_76 = tpu.memref_slice %arg4[%add3A_42, %dma_wait3A_75] : memref<2560x125xi32, #tpu.memory_space<hbm>> -> memref<40x125xi32, #tpu.memory_space<hbm>>
      tpu.wait_dma2 semaphore(%run_scoped3A : memref<!tpu.dma_semaphore, #tpu.memory_space<semaphore_mem>>) src(%dma_wait3A_76 : memref<40x125xi32, #tpu.memory_space<hbm>>) dst(%arg8 : memref<40x125xi32, #tpu.memory_space<vmem>>)
      tpu.yield
    }) : () -> ()
    %dma_start3A_43 = arith.constant 0 : i32
    %dma_start3A_44 = arith.constant 0 : i32
    %dma_start3A_45 = tpu.memref_slice %arg7[%dma_start3A_43, %dma_start3A_44] : memref<40x125xi32, #tpu.memory_space<vmem>> -> memref<1x125xi32, #tpu.memory_space<vmem>>
    %dma_start3A_46 = tpu.memref_squeeze %dma_start3A_45 : memref<1x125xi32, #tpu.memory_space<vmem>> -> memref<125xi32, #tpu.memory_space<vmem>>
    %dma_start3A_47 = arith.constant 0 : i32
    %dma_start3A_48 = arith.constant 0 : i32
    %dma_start3A_49 = tpu.memref_slice %arg2[%dma_start3A_47, %dma_start3A_48] : memref<10000x128xf32, #tpu.memory_space<hbm>> -> memref<10000x128xf32, #tpu.memory_space<hbm>>
    tpu.enqueue_indirect_dma source(%dma_start3A_49 : memref<10000x128xf32, #tpu.memory_space<hbm>>) target(%arg9 : memref<125x128xf32, #tpu.memory_space<vmem>>) offsets(%dma_start3A_46 : memref<125xi32, #tpu.memory_space<vmem>>) semaphore(%arg12 : memref<!tpu.dma_semaphore, #tpu.memory_space<semaphore_mem>>)
    %scan3A_50 = arith.constant 0 : i32
    %scan3A_51 = arith.constant 0 : i32
    %scan3A_52 = arith.constant 20 : i32
    %scan3A_53 = arith.addi %scan3A_51, %scan3A_52 : i32
    %scan3A_54 = arith.constant 1 : i32
    scf.for %scan3A_69 = %scan3A_51 to %scan3A_53 step %scan3A_54  : i32 {
      %mul3A_70 = arith.constant 2 : i32
      %mul3A_71 = arith.muli %mul3A_70, %scan3A_69 : i32
      %add3A_72 = arith.constant 1 : i32
      %add3A_73 = arith.addi %mul3A_71, %add3A_72 : i32
      %dma_start3A_74 = arith.constant 0 : i32
      %dma_start3A_75 = tpu.memref_slice %arg7[%add3A_73, %dma_start3A_74] : memref<40x125xi32, #tpu.memory_space<vmem>> -> memref<1x125xi32, #tpu.memory_space<vmem>>
      %dma_start3A_76 = tpu.memref_squeeze %dma_start3A_75 : memref<1x125xi32, #tpu.memory_space<vmem>> -> memref<125xi32, #tpu.memory_space<vmem>>
      %dma_start3A_77 = arith.constant 0 : i32
      %dma_start3A_78 = arith.constant 0 : i32
      %dma_start3A_79 = tpu.memref_slice %arg2[%dma_start3A_77, %dma_start3A_78] : memref<10000x128xf32, #tpu.memory_space<hbm>> -> memref<10000x128xf32, #tpu.memory_space<hbm>>
      tpu.enqueue_indirect_dma source(%dma_start3A_79 : memref<10000x128xf32, #tpu.memory_space<hbm>>) target(%arg10 : memref<125x128xf32, #tpu.memory_space<vmem>>) offsets(%dma_start3A_76 : memref<125xi32, #tpu.memory_space<vmem>>) semaphore(%arg13 : memref<!tpu.dma_semaphore, #tpu.memory_space<semaphore_mem>>)
      %dma_wait3A_80 = arith.constant 0 : i32
      %dma_wait3A_81 = tpu.memref_slice %arg7[%mul3A_71, %dma_wait3A_80] : memref<40x125xi32, #tpu.memory_space<vmem>> -> memref<1x125xi32, #tpu.memory_space<vmem>>
      %dma_wait3A_82 = tpu.memref_squeeze %dma_wait3A_81 : memref<1x125xi32, #tpu.memory_space<vmem>> -> memref<125xi32, #tpu.memory_space<vmem>>
      %dma_wait3A_83 = arith.constant 0 : i32
      %dma_wait3A_84 = arith.constant 0 : i32
      %dma_wait3A_85 = tpu.memref_slice %arg2[%dma_wait3A_83, %dma_wait3A_84] : memref<10000x128xf32, #tpu.memory_space<hbm>> -> memref<10000x128xf32, #tpu.memory_space<hbm>>
      tpu.wait_indirect_dma semaphore(%arg12 : memref<!tpu.dma_semaphore, #tpu.memory_space<semaphore_mem>>) src(%dma_wait3A_85 : memref<10000x128xf32, #tpu.memory_space<hbm>>) dst(%arg9 : memref<125x128xf32, #tpu.memory_space<vmem>>)
      "tpu.region"() ({
        %run_scoped3A = tpu.sem_alloc : memref<!tpu.dma_semaphore, #tpu.memory_space<semaphore_mem>>
        %dma_start3A_105 = arith.constant 0 : i32
        %dma_start3A_106 = tpu.memref_slice %arg8[%mul3A_71, %dma_start3A_105] : memref<40x125xi32, #tpu.memory_space<vmem>> -> memref<1x125xi32, #tpu.memory_space<vmem>>
        %dma_start3A_107 = tpu.memref_squeeze %dma_start3A_106 : memref<1x125xi32, #tpu.memory_space<vmem>> -> memref<125xi32, #tpu.memory_space<vmem>>
        %dma_start3A_108 = arith.constant 0 : i32
        %dma_start3A_109 = arith.constant 0 : i32
        %dma_start3A_110 = tpu.memref_slice %arg11[%dma_start3A_108, %dma_start3A_109] : memref<10000x128xf32, #tpu.memory_space<vmem_shared>> -> memref<10000x128xf32, #tpu.memory_space<vmem_shared>>
        tpu.enqueue_indirect_dma source(%arg9 : memref<125x128xf32, #tpu.memory_space<vmem>>) target(%dma_start3A_110 : memref<10000x128xf32, #tpu.memory_space<vmem_shared>>) offsets(%dma_start3A_107 : memref<125xi32, #tpu.memory_space<vmem>>) semaphore(%run_scoped3A : memref<!tpu.dma_semaphore, #tpu.memory_space<semaphore_mem>>) {add = true}
        %dma_wait3A_111 = arith.constant 0 : i32
        %dma_wait3A_112 = tpu.memref_slice %arg8[%mul3A_71, %dma_wait3A_111] : memref<40x125xi32, #tpu.memory_space<vmem>> -> memref<1x125xi32, #tpu.memory_space<vmem>>
        %dma_wait3A_113 = tpu.memref_squeeze %dma_wait3A_112 : memref<1x125xi32, #tpu.memory_space<vmem>> -> memref<125xi32, #tpu.memory_space<vmem>>
        %dma_wait3A_114 = arith.constant 0 : i32
        %dma_wait3A_115 = arith.constant 0 : i32
        %dma_wait3A_116 = tpu.memref_slice %arg11[%dma_wait3A_114, %dma_wait3A_115] : memref<10000x128xf32, #tpu.memory_space<vmem_shared>> -> memref<10000x128xf32, #tpu.memory_space<vmem_shared>>
        tpu.wait_indirect_dma semaphore(%run_scoped3A : memref<!tpu.dma_semaphore, #tpu.memory_space<semaphore_mem>>) src(%arg9 : memref<125x128xf32, #tpu.memory_space<vmem>>) dst(%dma_wait3A_116 : memref<10000x128xf32, #tpu.memory_space<vmem_shared>>)
        tpu.yield
      }) : () -> ()
      %add3A_86 = arith.constant 2 : i32
      %add3A_87 = arith.addi %mul3A_71, %add3A_86 : i32
      %min3A = arith.constant 39 : i32
      %min3A_88 = arith.minsi %add3A_87, %min3A : i32
      %dma_start3A_89 = arith.constant 0 : i32
      %dma_start3A_90 = tpu.memref_slice %arg7[%min3A_88, %dma_start3A_89] : memref<40x125xi32, #tpu.memory_space<vmem>> -> memref<1x125xi32, #tpu.memory_space<vmem>>
      %dma_start3A_91 = tpu.memref_squeeze %dma_start3A_90 : memref<1x125xi32, #tpu.memory_space<vmem>> -> memref<125xi32, #tpu.memory_space<vmem>>
      %dma_start3A_92 = arith.constant 0 : i32
      %dma_start3A_93 = arith.constant 0 : i32
      %dma_start3A_94 = tpu.memref_slice %arg2[%dma_start3A_92, %dma_start3A_93] : memref<10000x128xf32, #tpu.memory_space<hbm>> -> memref<10000x128xf32, #tpu.memory_space<hbm>>
      tpu.enqueue_indirect_dma source(%dma_start3A_94 : memref<10000x128xf32, #tpu.memory_space<hbm>>) target(%arg9 : memref<125x128xf32, #tpu.memory_space<vmem>>) offsets(%dma_start3A_91 : memref<125xi32, #tpu.memory_space<vmem>>) semaphore(%arg12 : memref<!tpu.dma_semaphore, #tpu.memory_space<semaphore_mem>>)
      %add3A_95 = arith.constant 1 : i32
      %add3A_96 = arith.addi %mul3A_71, %add3A_95 : i32
      %dma_wait3A_97 = arith.constant 0 : i32
      %dma_wait3A_98 = tpu.memref_slice %arg7[%add3A_96, %dma_wait3A_97] : memref<40x125xi32, #tpu.memory_space<vmem>> -> memref<1x125xi32, #tpu.memory_space<vmem>>
      %dma_wait3A_99 = tpu.memref_squeeze %dma_wait3A_98 : memref<1x125xi32, #tpu.memory_space<vmem>> -> memref<125xi32, #tpu.memory_space<vmem>>
      %dma_wait3A_100 = arith.constant 0 : i32
      %dma_wait3A_101 = arith.constant 0 : i32
      %dma_wait3A_102 = tpu.memref_slice %arg2[%dma_wait3A_100, %dma_wait3A_101] : memref<10000x128xf32, #tpu.memory_space<hbm>> -> memref<10000x128xf32, #tpu.memory_space<hbm>>
      tpu.wait_indirect_dma semaphore(%arg13 : memref<!tpu.dma_semaphore, #tpu.memory_space<semaphore_mem>>) src(%dma_wait3A_102 : memref<10000x128xf32, #tpu.memory_space<hbm>>) dst(%arg10 : memref<125x128xf32, #tpu.memory_space<vmem>>)
      %add3A_103 = arith.constant 1 : i32
      %add3A_104 = arith.addi %mul3A_71, %add3A_103 : i32
      "tpu.region"() ({
        %run_scoped3A = tpu.sem_alloc : memref<!tpu.dma_semaphore, #tpu.memory_space<semaphore_mem>>
        %dma_start3A_105 = arith.constant 0 : i32
        %dma_start3A_106 = tpu.memref_slice %arg8[%add3A_104, %dma_start3A_105] : memref<40x125xi32, #tpu.memory_space<vmem>> -> memref<1x125xi32, #tpu.memory_space<vmem>>
        %dma_start3A_107 = tpu.memref_squeeze %dma_start3A_106 : memref<1x125xi32, #tpu.memory_space<vmem>> -> memref<125xi32, #tpu.memory_space<vmem>>
        %dma_start3A_108 = arith.constant 0 : i32
        %dma_start3A_109 = arith.constant 0 : i32
        %dma_start3A_110 = tpu.memref_slice %arg11[%dma_start3A_108, %dma_start3A_109] : memref<10000x128xf32, #tpu.memory_space<vmem_shared>> -> memref<10000x128xf32, #tpu.memory_space<vmem_shared>>
        tpu.enqueue_indirect_dma source(%arg10 : memref<125x128xf32, #tpu.memory_space<vmem>>) target(%dma_start3A_110 : memref<10000x128xf32, #tpu.memory_space<vmem_shared>>) offsets(%dma_start3A_107 : memref<125xi32, #tpu.memory_space<vmem>>) semaphore(%run_scoped3A : memref<!tpu.dma_semaphore, #tpu.memory_space<semaphore_mem>>) {add = true}
        %dma_wait3A_111 = arith.constant 0 : i32
        %dma_wait3A_112 = tpu.memref_slice %arg8[%add3A_104, %dma_wait3A_111] : memref<40x125xi32, #tpu.memory_space<vmem>> -> memref<1x125xi32, #tpu.memory_space<vmem>>
        %dma_wait3A_113 = tpu.memref_squeeze %dma_wait3A_112 : memref<1x125xi32, #tpu.memory_space<vmem>> -> memref<125xi32, #tpu.memory_space<vmem>>
        %dma_wait3A_114 = arith.constant 0 : i32
        %dma_wait3A_115 = arith.constant 0 : i32
        %dma_wait3A_116 = tpu.memref_slice %arg11[%dma_wait3A_114, %dma_wait3A_115] : memref<10000x128xf32, #tpu.memory_space<vmem_shared>> -> memref<10000x128xf32, #tpu.memory_space<vmem_shared>>
        tpu.wait_indirect_dma semaphore(%run_scoped3A : memref<!tpu.dma_semaphore, #tpu.memory_space<semaphore_mem>>) src(%arg10 : memref<125x128xf32, #tpu.memory_space<vmem>>) dst(%dma_wait3A_116 : memref<10000x128xf32, #tpu.memory_space<vmem_shared>>)
        tpu.yield
      }) : () -> ()
    }
    %scan3A_55 = arith.constant 20 : i32
    %dma_wait3A_56 = arith.constant 39 : i32
    %dma_wait3A_57 = arith.constant 0 : i32
    %dma_wait3A_58 = tpu.memref_slice %arg7[%dma_wait3A_56, %dma_wait3A_57] : memref<40x125xi32, #tpu.memory_space<vmem>> -> memref<1x125xi32, #tpu.memory_space<vmem>>
    %dma_wait3A_59 = tpu.memref_squeeze %dma_wait3A_58 : memref<1x125xi32, #tpu.memory_space<vmem>> -> memref<125xi32, #tpu.memory_space<vmem>>
    %dma_wait3A_60 = arith.constant 0 : i32
    %dma_wait3A_61 = arith.constant 0 : i32
    %dma_wait3A_62 = tpu.memref_slice %arg2[%dma_wait3A_60, %dma_wait3A_61] : memref<10000x128xf32, #tpu.memory_space<hbm>> -> memref<10000x128xf32, #tpu.memory_space<hbm>>
    tpu.wait_indirect_dma semaphore(%arg12 : memref<!tpu.dma_semaphore, #tpu.memory_space<semaphore_mem>>) src(%dma_wait3A_62 : memref<10000x128xf32, #tpu.memory_space<hbm>>) dst(%arg9 : memref<125x128xf32, #tpu.memory_space<vmem>>)
    %barrier3A_63 = arith.constant 0 : index
    tpu.barrier barrier_id(%barrier3A_63)
    "tpu.region"() ({
      %run_scoped3A = tpu.sem_alloc : memref<!tpu.dma_semaphore, #tpu.memory_space<semaphore_mem>>
      %dma_start3A_69 = arith.constant 0 : i32
      %dma_start3A_70 = arith.constant 0 : i32
      %dma_start3A_71 = tpu.memref_slice %arg6[%arg0, %dma_start3A_69, %dma_start3A_70] : memref<2x10000x128xf32, #tpu.memory_space<hbm>> -> memref<1x10000x128xf32, #tpu.memory_space<hbm>>
      %dma_start3A_72 = tpu.memref_squeeze %dma_start3A_71 : memref<1x10000x128xf32, #tpu.memory_space<hbm>> -> memref<10000x128xf32, #tpu.memory_space<hbm>>
      %dma_start3A_73 = arith.constant 0 : i32
      %dma_start3A_74 = tpu.memref_slice %dma_start3A_72[%mul3A_2, %dma_start3A_73] : memref<10000x128xf32, #tpu.memory_space<hbm>> -> memref<624x128xf32, #tpu.memory_space<hbm>>
      %dma_start3A_75 = arith.constant 0 : i32
      %dma_start3A_76 = tpu.memref_slice %arg11[%mul3A_2, %dma_start3A_75] : memref<10000x128xf32, #tpu.memory_space<vmem_shared>> -> memref<624x128xf32, #tpu.memory_space<vmem_shared>>
      tpu.enqueue_dma source(%dma_start3A_76 : memref<624x128xf32, #tpu.memory_space<vmem_shared>>) target(%dma_start3A_74 : memref<624x128xf32, #tpu.memory_space<hbm>>) target_semaphore(%run_scoped3A : memref<!tpu.dma_semaphore, #tpu.memory_space<semaphore_mem>>)
      %dma_wait3A_77 = arith.constant 0 : i32
      %dma_wait3A_78 = arith.constant 0 : i32
      %dma_wait3A_79 = tpu.memref_slice %arg6[%arg0, %dma_wait3A_77, %dma_wait3A_78] : memref<2x10000x128xf32, #tpu.memory_space<hbm>> -> memref<1x10000x128xf32, #tpu.memory_space<hbm>>
      %dma_wait3A_80 = tpu.memref_squeeze %dma_wait3A_79 : memref<1x10000x128xf32, #tpu.memory_space<hbm>> -> memref<10000x128xf32, #tpu.memory_space<hbm>>
      %dma_wait3A_81 = arith.constant 0 : i32
      %dma_wait3A_82 = tpu.memref_slice %dma_wait3A_80[%mul3A_2, %dma_wait3A_81] : memref<10000x128xf32, #tpu.memory_space<hbm>> -> memref<624x128xf32, #tpu.memory_space<hbm>>
      %dma_wait3A_83 = arith.constant 0 : i32
      %dma_wait3A_84 = tpu.memref_slice %arg11[%mul3A_2, %dma_wait3A_83] : memref<10000x128xf32, #tpu.memory_space<vmem_shared>> -> memref<624x128xf32, #tpu.memory_space<vmem_shared>>
      tpu.wait_dma2 semaphore(%run_scoped3A : memref<!tpu.dma_semaphore, #tpu.memory_space<semaphore_mem>>) src(%dma_wait3A_84 : memref<624x128xf32, #tpu.memory_space<vmem_shared>>) dst(%dma_wait3A_82 : memref<624x128xf32, #tpu.memory_space<hbm>>)
      tpu.yield
    }) : () -> ()
    %eq3A_64 = arith.constant 15 : i32
    %eq3A_65 = arith.cmpi eq, %arg1, %eq3A_64 : i32
    %convert_element_type3A_66 = arith.extui %eq3A_65 : i1 to i32
    %cond3A_67 = arith.constant 0 : i32
    %cond3A_68 = arith.cmpi ne, %convert_element_type3A_66, %cond3A_67 : i32
    scf.if %cond3A_68 {
      "tpu.region"() ({
        %run_scoped3A = tpu.sem_alloc : memref<!tpu.dma_semaphore, #tpu.memory_space<semaphore_mem>>
        %dma_start3A_69 = arith.constant 0 : i32
        %dma_start3A_70 = arith.constant 0 : i32
        %dma_start3A_71 = tpu.memref_slice %arg6[%arg0, %dma_start3A_69, %dma_start3A_70] : memref<2x10000x128xf32, #tpu.memory_space<hbm>> -> memref<1x10000x128xf32, #tpu.memory_space<hbm>>
        %dma_start3A_72 = tpu.memref_squeeze %dma_start3A_71 : memref<1x10000x128xf32, #tpu.memory_space<hbm>> -> memref<10000x128xf32, #tpu.memory_space<hbm>>
        %dma_start3A_73 = arith.constant 9984 : i32
        %dma_start3A_74 = arith.constant 0 : i32
        %dma_start3A_75 = tpu.memref_slice %dma_start3A_72[%dma_start3A_73, %dma_start3A_74] : memref<10000x128xf32, #tpu.memory_space<hbm>> -> memref<16x128xf32, #tpu.memory_space<hbm>>
        %dma_start3A_76 = arith.constant 9984 : i32
        %dma_start3A_77 = arith.constant 0 : i32
        %dma_start3A_78 = tpu.memref_slice %arg11[%dma_start3A_76, %dma_start3A_77] : memref<10000x128xf32, #tpu.memory_space<vmem_shared>> -> memref<16x128xf32, #tpu.memory_space<vmem_shared>>
        tpu.enqueue_dma source(%dma_start3A_78 : memref<16x128xf32, #tpu.memory_space<vmem_shared>>) target(%dma_start3A_75 : memref<16x128xf32, #tpu.memory_space<hbm>>) target_semaphore(%run_scoped3A : memref<!tpu.dma_semaphore, #tpu.memory_space<semaphore_mem>>)
        %dma_wait3A_79 = arith.constant 0 : i32
        %dma_wait3A_80 = arith.constant 0 : i32
        %dma_wait3A_81 = tpu.memref_slice %arg6[%arg0, %dma_wait3A_79, %dma_wait3A_80] : memref<2x10000x128xf32, #tpu.memory_space<hbm>> -> memref<1x10000x128xf32, #tpu.memory_space<hbm>>
        %dma_wait3A_82 = tpu.memref_squeeze %dma_wait3A_81 : memref<1x10000x128xf32, #tpu.memory_space<hbm>> -> memref<10000x128xf32, #tpu.memory_space<hbm>>
        %dma_wait3A_83 = arith.constant 9984 : i32
        %dma_wait3A_84 = arith.constant 0 : i32
        %dma_wait3A_85 = tpu.memref_slice %dma_wait3A_82[%dma_wait3A_83, %dma_wait3A_84] : memref<10000x128xf32, #tpu.memory_space<hbm>> -> memref<16x128xf32, #tpu.memory_space<hbm>>
        %dma_wait3A_86 = arith.constant 9984 : i32
        %dma_wait3A_87 = arith.constant 0 : i32
        %dma_wait3A_88 = tpu.memref_slice %arg11[%dma_wait3A_86, %dma_wait3A_87] : memref<10000x128xf32, #tpu.memory_space<vmem_shared>> -> memref<16x128xf32, #tpu.memory_space<vmem_shared>>
        tpu.wait_dma2 semaphore(%run_scoped3A : memref<!tpu.dma_semaphore, #tpu.memory_space<semaphore_mem>>) src(%dma_wait3A_88 : memref<16x128xf32, #tpu.memory_space<vmem_shared>>) dst(%dma_wait3A_85 : memref<16x128xf32, #tpu.memory_space<hbm>>)
        tpu.yield
      }) : () -> ()
    } else {
    }
    return
  }
}

#map = affine_map<(d0, d1) -> (0, 0)>
#map1 = affine_map<(d0, d1) -> (0, 0, 0)>
module attributes {stable_mosaic.version = 14 : i64} {
  func.func @_deg_kernel(%arg0: i32, %arg1: i32, %arg2: memref<2560x125xi32, #tpu.memory_space<hbm>>, %arg3: memref<125x128xf32, #tpu.memory_space<hbm>>, %arg4: memref<10000x128xf32, #tpu.memory_space<hbm>>, %arg5: memref<2x10000x128xf32, #tpu.memory_space<hbm>>, %arg6: memref<80x125xi32, #tpu.memory_space<vmem>>, %arg7: memref<125x128xf32, #tpu.memory_space<vmem>>, %arg8: memref<10000x128xf32, #tpu.memory_space<vmem_shared>>) attributes {dimension_semantics = [#tpu.dimension_semantics<core_parallel>, #tpu.dimension_semantics<subcore_parallel>], iteration_bounds = array<i64: 2, 16>, scalar_prefetch = 0 : i64, scratch_operands = 3 : i64, tpu.core_type = #tpu.core_type<sc_vector_subcore>, window_params = [{transform_indices = #map}, {transform_indices = #map}, {transform_indices = #map}, {transform_indices = #map1}]} {
    %mul3A = arith.constant 16 : i32
    %mul3A_0 = arith.muli %arg0, %mul3A : i32
    %add3A = arith.addi %mul3A_0, %arg1 : i32
    %mul3A_1 = arith.constant 624 : i32
    %mul3A_2 = arith.muli %arg1, %mul3A_1 : i32
    %mul3A_3 = arith.constant 80 : i32
    %mul3A_4 = arith.muli %add3A, %mul3A_3 : i32
    "tpu.region"() ({
      %run_scoped3A = tpu.sem_alloc : memref<!tpu.dma_semaphore, #tpu.memory_space<semaphore_mem>>
      %dma_start3A = arith.constant 0 : i32
      %dma_start3A_18 = tpu.memref_slice %arg2[%mul3A_4, %dma_start3A] : memref<2560x125xi32, #tpu.memory_space<hbm>> -> memref<80x125xi32, #tpu.memory_space<hbm>>
      %dma_start3A_19 = arith.constant 0 : i32
      %dma_start3A_20 = tpu.memref_slice %arg2[%mul3A_4, %dma_start3A_19] : memref<2560x125xi32, #tpu.memory_space<hbm>> -> memref<80x125xi32, #tpu.memory_space<hbm>>
      tpu.enqueue_dma source(%dma_start3A_20 : memref<80x125xi32, #tpu.memory_space<hbm>>) target(%arg6 : memref<80x125xi32, #tpu.memory_space<vmem>>) target_semaphore(%run_scoped3A : memref<!tpu.dma_semaphore, #tpu.memory_space<semaphore_mem>>)
      %dma_wait3A = arith.constant 0 : i32
      %dma_wait3A_21 = tpu.memref_slice %arg2[%mul3A_4, %dma_wait3A] : memref<2560x125xi32, #tpu.memory_space<hbm>> -> memref<80x125xi32, #tpu.memory_space<hbm>>
      %dma_wait3A_22 = arith.constant 0 : i32
      %dma_wait3A_23 = tpu.memref_slice %arg2[%mul3A_4, %dma_wait3A_22] : memref<2560x125xi32, #tpu.memory_space<hbm>> -> memref<80x125xi32, #tpu.memory_space<hbm>>
      tpu.wait_dma2 semaphore(%run_scoped3A : memref<!tpu.dma_semaphore, #tpu.memory_space<semaphore_mem>>) src(%dma_wait3A_23 : memref<80x125xi32, #tpu.memory_space<hbm>>) dst(%arg6 : memref<80x125xi32, #tpu.memory_space<vmem>>)
      tpu.yield
    }) : () -> ()
    "tpu.region"() ({
      %run_scoped3A = tpu.sem_alloc : memref<!tpu.dma_semaphore, #tpu.memory_space<semaphore_mem>>
      tpu.enqueue_dma source(%arg3 : memref<125x128xf32, #tpu.memory_space<hbm>>) target(%arg7 : memref<125x128xf32, #tpu.memory_space<vmem>>) target_semaphore(%run_scoped3A : memref<!tpu.dma_semaphore, #tpu.memory_space<semaphore_mem>>)
      tpu.wait_dma2 semaphore(%run_scoped3A : memref<!tpu.dma_semaphore, #tpu.memory_space<semaphore_mem>>) src(%arg3 : memref<125x128xf32, #tpu.memory_space<hbm>>) dst(%arg7 : memref<125x128xf32, #tpu.memory_space<vmem>>)
      tpu.yield
    }) : () -> ()
    "tpu.region"() ({
      %run_scoped3A = tpu.sem_alloc : memref<!tpu.dma_semaphore, #tpu.memory_space<semaphore_mem>>
      %dma_start3A = arith.constant 0 : i32
      %dma_start3A_18 = tpu.memref_slice %arg8[%mul3A_2, %dma_start3A] : memref<10000x128xf32, #tpu.memory_space<vmem_shared>> -> memref<624x128xf32, #tpu.memory_space<vmem_shared>>
      %dma_start3A_19 = arith.constant 0 : i32
      %dma_start3A_20 = tpu.memref_slice %arg4[%mul3A_2, %dma_start3A_19] : memref<10000x128xf32, #tpu.memory_space<hbm>> -> memref<624x128xf32, #tpu.memory_space<hbm>>
      tpu.enqueue_dma source(%dma_start3A_20 : memref<624x128xf32, #tpu.memory_space<hbm>>) target(%dma_start3A_18 : memref<624x128xf32, #tpu.memory_space<vmem_shared>>) target_semaphore(%run_scoped3A : memref<!tpu.dma_semaphore, #tpu.memory_space<semaphore_mem>>)
      %dma_wait3A = arith.constant 0 : i32
      %dma_wait3A_21 = tpu.memref_slice %arg8[%mul3A_2, %dma_wait3A] : memref<10000x128xf32, #tpu.memory_space<vmem_shared>> -> memref<624x128xf32, #tpu.memory_space<vmem_shared>>
      %dma_wait3A_22 = arith.constant 0 : i32
      %dma_wait3A_23 = tpu.memref_slice %arg4[%mul3A_2, %dma_wait3A_22] : memref<10000x128xf32, #tpu.memory_space<hbm>> -> memref<624x128xf32, #tpu.memory_space<hbm>>
      tpu.wait_dma2 semaphore(%run_scoped3A : memref<!tpu.dma_semaphore, #tpu.memory_space<semaphore_mem>>) src(%dma_wait3A_23 : memref<624x128xf32, #tpu.memory_space<hbm>>) dst(%dma_wait3A_21 : memref<624x128xf32, #tpu.memory_space<vmem_shared>>)
      tpu.yield
    }) : () -> ()
    %eq3A = arith.constant 15 : i32
    %eq3A_5 = arith.cmpi eq, %arg1, %eq3A : i32
    %convert_element_type3A = arith.extui %eq3A_5 : i1 to i32
    %cond3A = arith.constant 0 : i32
    %cond3A_6 = arith.cmpi ne, %convert_element_type3A, %cond3A : i32
    scf.if %cond3A_6 {
      "tpu.region"() ({
        %run_scoped3A = tpu.sem_alloc : memref<!tpu.dma_semaphore, #tpu.memory_space<semaphore_mem>>
        %dma_start3A = arith.constant 9984 : i32
        %dma_start3A_18 = arith.constant 0 : i32
        %dma_start3A_19 = tpu.memref_slice %arg8[%dma_start3A, %dma_start3A_18] : memref<10000x128xf32, #tpu.memory_space<vmem_shared>> -> memref<16x128xf32, #tpu.memory_space<vmem_shared>>
        %dma_start3A_20 = arith.constant 9984 : i32
        %dma_start3A_21 = arith.constant 0 : i32
        %dma_start3A_22 = tpu.memref_slice %arg4[%dma_start3A_20, %dma_start3A_21] : memref<10000x128xf32, #tpu.memory_space<hbm>> -> memref<16x128xf32, #tpu.memory_space<hbm>>
        tpu.enqueue_dma source(%dma_start3A_22 : memref<16x128xf32, #tpu.memory_space<hbm>>) target(%dma_start3A_19 : memref<16x128xf32, #tpu.memory_space<vmem_shared>>) target_semaphore(%run_scoped3A : memref<!tpu.dma_semaphore, #tpu.memory_space<semaphore_mem>>)
        %dma_wait3A = arith.constant 9984 : i32
        %dma_wait3A_23 = arith.constant 0 : i32
        %dma_wait3A_24 = tpu.memref_slice %arg8[%dma_wait3A, %dma_wait3A_23] : memref<10000x128xf32, #tpu.memory_space<vmem_shared>> -> memref<16x128xf32, #tpu.memory_space<vmem_shared>>
        %dma_wait3A_25 = arith.constant 9984 : i32
        %dma_wait3A_26 = arith.constant 0 : i32
        %dma_wait3A_27 = tpu.memref_slice %arg4[%dma_wait3A_25, %dma_wait3A_26] : memref<10000x128xf32, #tpu.memory_space<hbm>> -> memref<16x128xf32, #tpu.memory_space<hbm>>
        tpu.wait_dma2 semaphore(%run_scoped3A : memref<!tpu.dma_semaphore, #tpu.memory_space<semaphore_mem>>) src(%dma_wait3A_27 : memref<16x128xf32, #tpu.memory_space<hbm>>) dst(%dma_wait3A_24 : memref<16x128xf32, #tpu.memory_space<vmem_shared>>)
        tpu.yield
      }) : () -> ()
    } else {
    }
    %barrier3A = arith.constant 0 : index
    tpu.barrier barrier_id(%barrier3A)
    %scan3A = arith.constant 0 : i32
    %scan3A_7 = arith.constant 0 : i32
    %scan3A_8 = arith.constant 80 : i32
    %scan3A_9 = arith.addi %scan3A_7, %scan3A_8 : i32
    %scan3A_10 = arith.constant 1 : i32
    scf.for %scan3A_18 = %scan3A_7 to %scan3A_9 step %scan3A_10  : i32 {
      "tpu.region"() ({
        %run_scoped3A = tpu.sem_alloc : memref<!tpu.dma_semaphore, #tpu.memory_space<semaphore_mem>>
        %dma_start3A = arith.constant 0 : i32
        %dma_start3A_19 = tpu.memref_slice %arg6[%scan3A_18, %dma_start3A] : memref<80x125xi32, #tpu.memory_space<vmem>> -> memref<1x125xi32, #tpu.memory_space<vmem>>
        %dma_start3A_20 = tpu.memref_squeeze %dma_start3A_19 : memref<1x125xi32, #tpu.memory_space<vmem>> -> memref<125xi32, #tpu.memory_space<vmem>>
        %dma_start3A_21 = arith.constant 0 : i32
        %dma_start3A_22 = arith.constant 0 : i32
        %dma_start3A_23 = tpu.memref_slice %arg8[%dma_start3A_21, %dma_start3A_22] : memref<10000x128xf32, #tpu.memory_space<vmem_shared>> -> memref<10000x128xf32, #tpu.memory_space<vmem_shared>>
        tpu.enqueue_indirect_dma source(%arg7 : memref<125x128xf32, #tpu.memory_space<vmem>>) target(%dma_start3A_23 : memref<10000x128xf32, #tpu.memory_space<vmem_shared>>) offsets(%dma_start3A_20 : memref<125xi32, #tpu.memory_space<vmem>>) semaphore(%run_scoped3A : memref<!tpu.dma_semaphore, #tpu.memory_space<semaphore_mem>>) {add = true}
        %dma_wait3A = arith.constant 0 : i32
        %dma_wait3A_24 = tpu.memref_slice %arg6[%scan3A_18, %dma_wait3A] : memref<80x125xi32, #tpu.memory_space<vmem>> -> memref<1x125xi32, #tpu.memory_space<vmem>>
        %dma_wait3A_25 = tpu.memref_squeeze %dma_wait3A_24 : memref<1x125xi32, #tpu.memory_space<vmem>> -> memref<125xi32, #tpu.memory_space<vmem>>
        %dma_wait3A_26 = arith.constant 0 : i32
        %dma_wait3A_27 = arith.constant 0 : i32
        %dma_wait3A_28 = tpu.memref_slice %arg8[%dma_wait3A_26, %dma_wait3A_27] : memref<10000x128xf32, #tpu.memory_space<vmem_shared>> -> memref<10000x128xf32, #tpu.memory_space<vmem_shared>>
        tpu.wait_indirect_dma semaphore(%run_scoped3A : memref<!tpu.dma_semaphore, #tpu.memory_space<semaphore_mem>>) src(%arg7 : memref<125x128xf32, #tpu.memory_space<vmem>>) dst(%dma_wait3A_28 : memref<10000x128xf32, #tpu.memory_space<vmem_shared>>)
        tpu.yield
      }) : () -> ()
    }
    %scan3A_11 = arith.constant 80 : i32
    %barrier3A_12 = arith.constant 0 : index
    tpu.barrier barrier_id(%barrier3A_12)
    "tpu.region"() ({
      %run_scoped3A = tpu.sem_alloc : memref<!tpu.dma_semaphore, #tpu.memory_space<semaphore_mem>>
      %dma_start3A = arith.constant 0 : i32
      %dma_start3A_18 = arith.constant 0 : i32
      %dma_start3A_19 = tpu.memref_slice %arg5[%arg0, %dma_start3A, %dma_start3A_18] : memref<2x10000x128xf32, #tpu.memory_space<hbm>> -> memref<1x10000x128xf32, #tpu.memory_space<hbm>>
      %dma_start3A_20 = tpu.memref_squeeze %dma_start3A_19 : memref<1x10000x128xf32, #tpu.memory_space<hbm>> -> memref<10000x128xf32, #tpu.memory_space<hbm>>
      %dma_start3A_21 = arith.constant 0 : i32
      %dma_start3A_22 = tpu.memref_slice %dma_start3A_20[%mul3A_2, %dma_start3A_21] : memref<10000x128xf32, #tpu.memory_space<hbm>> -> memref<624x128xf32, #tpu.memory_space<hbm>>
      %dma_start3A_23 = arith.constant 0 : i32
      %dma_start3A_24 = tpu.memref_slice %arg8[%mul3A_2, %dma_start3A_23] : memref<10000x128xf32, #tpu.memory_space<vmem_shared>> -> memref<624x128xf32, #tpu.memory_space<vmem_shared>>
      tpu.enqueue_dma source(%dma_start3A_24 : memref<624x128xf32, #tpu.memory_space<vmem_shared>>) target(%dma_start3A_22 : memref<624x128xf32, #tpu.memory_space<hbm>>) target_semaphore(%run_scoped3A : memref<!tpu.dma_semaphore, #tpu.memory_space<semaphore_mem>>)
      %dma_wait3A = arith.constant 0 : i32
      %dma_wait3A_25 = arith.constant 0 : i32
      %dma_wait3A_26 = tpu.memref_slice %arg5[%arg0, %dma_wait3A, %dma_wait3A_25] : memref<2x10000x128xf32, #tpu.memory_space<hbm>> -> memref<1x10000x128xf32, #tpu.memory_space<hbm>>
      %dma_wait3A_27 = tpu.memref_squeeze %dma_wait3A_26 : memref<1x10000x128xf32, #tpu.memory_space<hbm>> -> memref<10000x128xf32, #tpu.memory_space<hbm>>
      %dma_wait3A_28 = arith.constant 0 : i32
      %dma_wait3A_29 = tpu.memref_slice %dma_wait3A_27[%mul3A_2, %dma_wait3A_28] : memref<10000x128xf32, #tpu.memory_space<hbm>> -> memref<624x128xf32, #tpu.memory_space<hbm>>
      %dma_wait3A_30 = arith.constant 0 : i32
      %dma_wait3A_31 = tpu.memref_slice %arg8[%mul3A_2, %dma_wait3A_30] : memref<10000x128xf32, #tpu.memory_space<vmem_shared>> -> memref<624x128xf32, #tpu.memory_space<vmem_shared>>
      tpu.wait_dma2 semaphore(%run_scoped3A : memref<!tpu.dma_semaphore, #tpu.memory_space<semaphore_mem>>) src(%dma_wait3A_31 : memref<624x128xf32, #tpu.memory_space<vmem_shared>>) dst(%dma_wait3A_29 : memref<624x128xf32, #tpu.memory_space<hbm>>)
      tpu.yield
    }) : () -> ()
    %eq3A_13 = arith.constant 15 : i32
    %eq3A_14 = arith.cmpi eq, %arg1, %eq3A_13 : i32
    %convert_element_type3A_15 = arith.extui %eq3A_14 : i1 to i32
    %cond3A_16 = arith.constant 0 : i32
    %cond3A_17 = arith.cmpi ne, %convert_element_type3A_15, %cond3A_16 : i32
    scf.if %cond3A_17 {
      "tpu.region"() ({
        %run_scoped3A = tpu.sem_alloc : memref<!tpu.dma_semaphore, #tpu.memory_space<semaphore_mem>>
        %dma_start3A = arith.constant 0 : i32
        %dma_start3A_18 = arith.constant 0 : i32
        %dma_start3A_19 = tpu.memref_slice %arg5[%arg0, %dma_start3A, %dma_start3A_18] : memref<2x10000x128xf32, #tpu.memory_space<hbm>> -> memref<1x10000x128xf32, #tpu.memory_space<hbm>>
        %dma_start3A_20 = tpu.memref_squeeze %dma_start3A_19 : memref<1x10000x128xf32, #tpu.memory_space<hbm>> -> memref<10000x128xf32, #tpu.memory_space<hbm>>
        %dma_start3A_21 = arith.constant 9984 : i32
        %dma_start3A_22 = arith.constant 0 : i32
        %dma_start3A_23 = tpu.memref_slice %dma_start3A_20[%dma_start3A_21, %dma_start3A_22] : memref<10000x128xf32, #tpu.memory_space<hbm>> -> memref<16x128xf32, #tpu.memory_space<hbm>>
        %dma_start3A_24 = arith.constant 9984 : i32
        %dma_start3A_25 = arith.constant 0 : i32
        %dma_start3A_26 = tpu.memref_slice %arg8[%dma_start3A_24, %dma_start3A_25] : memref<10000x128xf32, #tpu.memory_space<vmem_shared>> -> memref<16x128xf32, #tpu.memory_space<vmem_shared>>
        tpu.enqueue_dma source(%dma_start3A_26 : memref<16x128xf32, #tpu.memory_space<vmem_shared>>) target(%dma_start3A_23 : memref<16x128xf32, #tpu.memory_space<hbm>>) target_semaphore(%run_scoped3A : memref<!tpu.dma_semaphore, #tpu.memory_space<semaphore_mem>>)
        %dma_wait3A = arith.constant 0 : i32
        %dma_wait3A_27 = arith.constant 0 : i32
        %dma_wait3A_28 = tpu.memref_slice %arg5[%arg0, %dma_wait3A, %dma_wait3A_27] : memref<2x10000x128xf32, #tpu.memory_space<hbm>> -> memref<1x10000x128xf32, #tpu.memory_space<hbm>>
        %dma_wait3A_29 = tpu.memref_squeeze %dma_wait3A_28 : memref<1x10000x128xf32, #tpu.memory_space<hbm>> -> memref<10000x128xf32, #tpu.memory_space<hbm>>
        %dma_wait3A_30 = arith.constant 9984 : i32
        %dma_wait3A_31 = arith.constant 0 : i32
        %dma_wait3A_32 = tpu.memref_slice %dma_wait3A_29[%dma_wait3A_30, %dma_wait3A_31] : memref<10000x128xf32, #tpu.memory_space<hbm>> -> memref<16x128xf32, #tpu.memory_space<hbm>>
        %dma_wait3A_33 = arith.constant 9984 : i32
        %dma_wait3A_34 = arith.constant 0 : i32
        %dma_wait3A_35 = tpu.memref_slice %arg8[%dma_wait3A_33, %dma_wait3A_34] : memref<10000x128xf32, #tpu.memory_space<vmem_shared>> -> memref<16x128xf32, #tpu.memory_space<vmem_shared>>
        tpu.wait_dma2 semaphore(%run_scoped3A : memref<!tpu.dma_semaphore, #tpu.memory_space<semaphore_mem>>) src(%dma_wait3A_35 : memref<16x128xf32, #tpu.memory_space<vmem_shared>>) dst(%dma_wait3A_32 : memref<16x128xf32, #tpu.memory_space<hbm>>)
        tpu.yield
      }) : () -> ()
    } else {
    }
    return
  }
}

#map = affine_map<(d0, d1) -> (0, 0)>
#map1 = affine_map<(d0, d1) -> (0, 0, 0)>
module attributes {stable_mosaic.version = 14 : i64} {
  func.func @_agg_kernel(%arg0: i32, %arg1: i32, %arg2: memref<10000x128xf32, #tpu.memory_space<hbm>>, %arg3: memref<2560x125xi32, #tpu.memory_space<hbm>>, %arg4: memref<2560x125xi32, #tpu.memory_space<hbm>>, %arg5: memref<10000x128xf32, #tpu.memory_space<hbm>>, %arg6: memref<2x10000x128xf32, #tpu.memory_space<hbm>>, %arg7: memref<40x125xi32, #tpu.memory_space<vmem>>, %arg8: memref<40x125xi32, #tpu.memory_space<vmem>>, %arg9: memref<125x128xf32, #tpu.memory_space<vmem>>, %arg10: memref<125x128xf32, #tpu.memory_space<vmem>>, %arg11: memref<10000x128xf32, #tpu.memory_space<vmem_shared>>, %arg12: memref<!tpu.dma_semaphore, #tpu.memory_space<semaphore_mem>>, %arg13: memref<!tpu.dma_semaphore, #tpu.memory_space<semaphore_mem>>) attributes {dimension_semantics = [#tpu.dimension_semantics<core_parallel>, #tpu.dimension_semantics<subcore_parallel>], iteration_bounds = array<i64: 2, 16>, scalar_prefetch = 0 : i64, scratch_operands = 7 : i64, tpu.core_type = #tpu.core_type<sc_vector_subcore>, window_params = [{transform_indices = #map}, {transform_indices = #map}, {transform_indices = #map}, {transform_indices = #map}, {transform_indices = #map1}]} {
    %mul3A = arith.constant 16 : i32
    %mul3A_0 = arith.muli %arg0, %mul3A : i32
    %add3A = arith.addi %mul3A_0, %arg1 : i32
    %mul3A_1 = arith.constant 624 : i32
    %mul3A_2 = arith.muli %arg1, %mul3A_1 : i32
    %eq3A = arith.constant 0 : i32
    %eq3A_3 = arith.cmpi eq, %arg0, %eq3A : i32
    %convert_element_type3A = arith.extui %eq3A_3 : i1 to i32
    %cond3A = arith.constant 0 : i32
    %cond3A_4 = arith.cmpi ne, %convert_element_type3A, %cond3A : i32
    scf.if %cond3A_4 {
      "tpu.region"() ({
        %run_scoped3A = tpu.sem_alloc : memref<!tpu.dma_semaphore, #tpu.memory_space<semaphore_mem>>
        %dma_start3A_74 = arith.constant 0 : i32
        %dma_start3A_75 = tpu.memref_slice %arg11[%mul3A_2, %dma_start3A_74] : memref<10000x128xf32, #tpu.memory_space<vmem_shared>> -> memref<624x128xf32, #tpu.memory_space<vmem_shared>>
        %dma_start3A_76 = arith.constant 0 : i32
        %dma_start3A_77 = tpu.memref_slice %arg2[%mul3A_2, %dma_start3A_76] : memref<10000x128xf32, #tpu.memory_space<hbm>> -> memref<624x128xf32, #tpu.memory_space<hbm>>
        tpu.enqueue_dma source(%dma_start3A_77 : memref<624x128xf32, #tpu.memory_space<hbm>>) target(%dma_start3A_75 : memref<624x128xf32, #tpu.memory_space<vmem_shared>>) target_semaphore(%run_scoped3A : memref<!tpu.dma_semaphore, #tpu.memory_space<semaphore_mem>>)
        %dma_wait3A_78 = arith.constant 0 : i32
        %dma_wait3A_79 = tpu.memref_slice %arg11[%mul3A_2, %dma_wait3A_78] : memref<10000x128xf32, #tpu.memory_space<vmem_shared>> -> memref<624x128xf32, #tpu.memory_space<vmem_shared>>
        %dma_wait3A_80 = arith.constant 0 : i32
        %dma_wait3A_81 = tpu.memref_slice %arg2[%mul3A_2, %dma_wait3A_80] : memref<10000x128xf32, #tpu.memory_space<hbm>> -> memref<624x128xf32, #tpu.memory_space<hbm>>
        tpu.wait_dma2 semaphore(%run_scoped3A : memref<!tpu.dma_semaphore, #tpu.memory_space<semaphore_mem>>) src(%dma_wait3A_81 : memref<624x128xf32, #tpu.memory_space<hbm>>) dst(%dma_wait3A_79 : memref<624x128xf32, #tpu.memory_space<vmem_shared>>)
        tpu.yield
      }) : () -> ()
      %eq3A_69 = arith.constant 15 : i32
      %eq3A_70 = arith.cmpi eq, %arg1, %eq3A_69 : i32
      %convert_element_type3A_71 = arith.extui %eq3A_70 : i1 to i32
      %cond3A_72 = arith.constant 0 : i32
      %cond3A_73 = arith.cmpi ne, %convert_element_type3A_71, %cond3A_72 : i32
      scf.if %cond3A_73 {
        "tpu.region"() ({
          %run_scoped3A = tpu.sem_alloc : memref<!tpu.dma_semaphore, #tpu.memory_space<semaphore_mem>>
          %dma_start3A_74 = arith.constant 9984 : i32
          %dma_start3A_75 = arith.constant 0 : i32
          %dma_start3A_76 = tpu.memref_slice %arg11[%dma_start3A_74, %dma_start3A_75] : memref<10000x128xf32, #tpu.memory_space<vmem_shared>> -> memref<16x128xf32, #tpu.memory_space<vmem_shared>>
          %dma_start3A_77 = arith.constant 9984 : i32
          %dma_start3A_78 = arith.constant 0 : i32
          %dma_start3A_79 = tpu.memref_slice %arg2[%dma_start3A_77, %dma_start3A_78] : memref<10000x128xf32, #tpu.memory_space<hbm>> -> memref<16x128xf32, #tpu.memory_space<hbm>>
          tpu.enqueue_dma source(%dma_start3A_79 : memref<16x128xf32, #tpu.memory_space<hbm>>) target(%dma_start3A_76 : memref<16x128xf32, #tpu.memory_space<vmem_shared>>) target_semaphore(%run_scoped3A : memref<!tpu.dma_semaphore, #tpu.memory_space<semaphore_mem>>)
          %dma_wait3A_80 = arith.constant 9984 : i32
          %dma_wait3A_81 = arith.constant 0 : i32
          %dma_wait3A_82 = tpu.memref_slice %arg11[%dma_wait3A_80, %dma_wait3A_81] : memref<10000x128xf32, #tpu.memory_space<vmem_shared>> -> memref<16x128xf32, #tpu.memory_space<vmem_shared>>
          %dma_wait3A_83 = arith.constant 9984 : i32
          %dma_wait3A_84 = arith.constant 0 : i32
          %dma_wait3A_85 = tpu.memref_slice %arg2[%dma_wait3A_83, %dma_wait3A_84] : memref<10000x128xf32, #tpu.memory_space<hbm>> -> memref<16x128xf32, #tpu.memory_space<hbm>>
          tpu.wait_dma2 semaphore(%run_scoped3A : memref<!tpu.dma_semaphore, #tpu.memory_space<semaphore_mem>>) src(%dma_wait3A_85 : memref<16x128xf32, #tpu.memory_space<hbm>>) dst(%dma_wait3A_82 : memref<16x128xf32, #tpu.memory_space<vmem_shared>>)
          tpu.yield
        }) : () -> ()
      } else {
      }
    } else {
    }
    %eq3A_5 = arith.constant 1 : i32
    %eq3A_6 = arith.cmpi eq, %arg0, %eq3A_5 : i32
    %convert_element_type3A_7 = arith.extui %eq3A_6 : i1 to i32
    %cond3A_8 = arith.constant 0 : i32
    %cond3A_9 = arith.cmpi ne, %convert_element_type3A_7, %cond3A_8 : i32
    scf.if %cond3A_9 {
      "tpu.region"() ({
        %run_scoped3A = tpu.sem_alloc : memref<!tpu.dma_semaphore, #tpu.memory_space<semaphore_mem>>
        %dma_start3A_74 = arith.constant 0 : i32
        %dma_start3A_75 = tpu.memref_slice %arg11[%mul3A_2, %dma_start3A_74] : memref<10000x128xf32, #tpu.memory_space<vmem_shared>> -> memref<624x128xf32, #tpu.memory_space<vmem_shared>>
        %dma_start3A_76 = arith.constant 0 : i32
        %dma_start3A_77 = tpu.memref_slice %arg5[%mul3A_2, %dma_start3A_76] : memref<10000x128xf32, #tpu.memory_space<hbm>> -> memref<624x128xf32, #tpu.memory_space<hbm>>
        tpu.enqueue_dma source(%dma_start3A_77 : memref<624x128xf32, #tpu.memory_space<hbm>>) target(%dma_start3A_75 : memref<624x128xf32, #tpu.memory_space<vmem_shared>>) target_semaphore(%run_scoped3A : memref<!tpu.dma_semaphore, #tpu.memory_space<semaphore_mem>>)
        %dma_wait3A_78 = arith.constant 0 : i32
        %dma_wait3A_79 = tpu.memref_slice %arg11[%mul3A_2, %dma_wait3A_78] : memref<10000x128xf32, #tpu.memory_space<vmem_shared>> -> memref<624x128xf32, #tpu.memory_space<vmem_shared>>
        %dma_wait3A_80 = arith.constant 0 : i32
        %dma_wait3A_81 = tpu.memref_slice %arg5[%mul3A_2, %dma_wait3A_80] : memref<10000x128xf32, #tpu.memory_space<hbm>> -> memref<624x128xf32, #tpu.memory_space<hbm>>
        tpu.wait_dma2 semaphore(%run_scoped3A : memref<!tpu.dma_semaphore, #tpu.memory_space<semaphore_mem>>) src(%dma_wait3A_81 : memref<624x128xf32, #tpu.memory_space<hbm>>) dst(%dma_wait3A_79 : memref<624x128xf32, #tpu.memory_space<vmem_shared>>)
        tpu.yield
      }) : () -> ()
      %eq3A_69 = arith.constant 15 : i32
      %eq3A_70 = arith.cmpi eq, %arg1, %eq3A_69 : i32
      %convert_element_type3A_71 = arith.extui %eq3A_70 : i1 to i32
      %cond3A_72 = arith.constant 0 : i32
      %cond3A_73 = arith.cmpi ne, %convert_element_type3A_71, %cond3A_72 : i32
      scf.if %cond3A_73 {
        "tpu.region"() ({
          %run_scoped3A = tpu.sem_alloc : memref<!tpu.dma_semaphore, #tpu.memory_space<semaphore_mem>>
          %dma_start3A_74 = arith.constant 9984 : i32
          %dma_start3A_75 = arith.constant 0 : i32
          %dma_start3A_76 = tpu.memref_slice %arg11[%dma_start3A_74, %dma_start3A_75] : memref<10000x128xf32, #tpu.memory_space<vmem_shared>> -> memref<16x128xf32, #tpu.memory_space<vmem_shared>>
          %dma_start3A_77 = arith.constant 9984 : i32
          %dma_start3A_78 = arith.constant 0 : i32
          %dma_start3A_79 = tpu.memref_slice %arg5[%dma_start3A_77, %dma_start3A_78] : memref<10000x128xf32, #tpu.memory_space<hbm>> -> memref<16x128xf32, #tpu.memory_space<hbm>>
          tpu.enqueue_dma source(%dma_start3A_79 : memref<16x128xf32, #tpu.memory_space<hbm>>) target(%dma_start3A_76 : memref<16x128xf32, #tpu.memory_space<vmem_shared>>) target_semaphore(%run_scoped3A : memref<!tpu.dma_semaphore, #tpu.memory_space<semaphore_mem>>)
          %dma_wait3A_80 = arith.constant 9984 : i32
          %dma_wait3A_81 = arith.constant 0 : i32
          %dma_wait3A_82 = tpu.memref_slice %arg11[%dma_wait3A_80, %dma_wait3A_81] : memref<10000x128xf32, #tpu.memory_space<vmem_shared>> -> memref<16x128xf32, #tpu.memory_space<vmem_shared>>
          %dma_wait3A_83 = arith.constant 9984 : i32
          %dma_wait3A_84 = arith.constant 0 : i32
          %dma_wait3A_85 = tpu.memref_slice %arg5[%dma_wait3A_83, %dma_wait3A_84] : memref<10000x128xf32, #tpu.memory_space<hbm>> -> memref<16x128xf32, #tpu.memory_space<hbm>>
          tpu.wait_dma2 semaphore(%run_scoped3A : memref<!tpu.dma_semaphore, #tpu.memory_space<semaphore_mem>>) src(%dma_wait3A_85 : memref<16x128xf32, #tpu.memory_space<hbm>>) dst(%dma_wait3A_82 : memref<16x128xf32, #tpu.memory_space<vmem_shared>>)
          tpu.yield
        }) : () -> ()
      } else {
      }
    } else {
    }
    %barrier3A = arith.constant 0 : index
    tpu.barrier barrier_id(%barrier3A)
    %mul3A_10 = arith.constant 80 : i32
    %mul3A_11 = arith.muli %add3A, %mul3A_10 : i32
    %add3A_12 = arith.constant 0 : i32
    %add3A_13 = arith.addi %mul3A_11, %add3A_12 : i32
    "tpu.region"() ({
      %run_scoped3A = tpu.sem_alloc : memref<!tpu.dma_semaphore, #tpu.memory_space<semaphore_mem>>
      %dma_start3A_69 = arith.constant 0 : i32
      %dma_start3A_70 = tpu.memref_slice %arg3[%add3A_13, %dma_start3A_69] : memref<2560x125xi32, #tpu.memory_space<hbm>> -> memref<40x125xi32, #tpu.memory_space<hbm>>
      %dma_start3A_71 = arith.constant 0 : i32
      %dma_start3A_72 = tpu.memref_slice %arg3[%add3A_13, %dma_start3A_71] : memref<2560x125xi32, #tpu.memory_space<hbm>> -> memref<40x125xi32, #tpu.memory_space<hbm>>
      tpu.enqueue_dma source(%dma_start3A_72 : memref<40x125xi32, #tpu.memory_space<hbm>>) target(%arg7 : memref<40x125xi32, #tpu.memory_space<vmem>>) target_semaphore(%run_scoped3A : memref<!tpu.dma_semaphore, #tpu.memory_space<semaphore_mem>>)
      %dma_wait3A_73 = arith.constant 0 : i32
      %dma_wait3A_74 = tpu.memref_slice %arg3[%add3A_13, %dma_wait3A_73] : memref<2560x125xi32, #tpu.memory_space<hbm>> -> memref<40x125xi32, #tpu.memory_space<hbm>>
      %dma_wait3A_75 = arith.constant 0 : i32
      %dma_wait3A_76 = tpu.memref_slice %arg3[%add3A_13, %dma_wait3A_75] : memref<2560x125xi32, #tpu.memory_space<hbm>> -> memref<40x125xi32, #tpu.memory_space<hbm>>
      tpu.wait_dma2 semaphore(%run_scoped3A : memref<!tpu.dma_semaphore, #tpu.memory_space<semaphore_mem>>) src(%dma_wait3A_76 : memref<40x125xi32, #tpu.memory_space<hbm>>) dst(%arg7 : memref<40x125xi32, #tpu.memory_space<vmem>>)
      tpu.yield
    }) : () -> ()
    %mul3A_14 = arith.constant 80 : i32
    %mul3A_15 = arith.muli %add3A, %mul3A_14 : i32
    %add3A_16 = arith.constant 0 : i32
    %add3A_17 = arith.addi %mul3A_15, %add3A_16 : i32
    "tpu.region"() ({
      %run_scoped3A = tpu.sem_alloc : memref<!tpu.dma_semaphore, #tpu.memory_space<semaphore_mem>>
      %dma_start3A_69 = arith.constant 0 : i32
      %dma_start3A_70 = tpu.memref_slice %arg4[%add3A_17, %dma_start3A_69] : memref<2560x125xi32, #tpu.memory_space<hbm>> -> memref<40x125xi32, #tpu.memory_space<hbm>>
      %dma_start3A_71 = arith.constant 0 : i32
      %dma_start3A_72 = tpu.memref_slice %arg4[%add3A_17, %dma_start3A_71] : memref<2560x125xi32, #tpu.memory_space<hbm>> -> memref<40x125xi32, #tpu.memory_space<hbm>>
      tpu.enqueue_dma source(%dma_start3A_72 : memref<40x125xi32, #tpu.memory_space<hbm>>) target(%arg8 : memref<40x125xi32, #tpu.memory_space<vmem>>) target_semaphore(%run_scoped3A : memref<!tpu.dma_semaphore, #tpu.memory_space<semaphore_mem>>)
      %dma_wait3A_73 = arith.constant 0 : i32
      %dma_wait3A_74 = tpu.memref_slice %arg4[%add3A_17, %dma_wait3A_73] : memref<2560x125xi32, #tpu.memory_space<hbm>> -> memref<40x125xi32, #tpu.memory_space<hbm>>
      %dma_wait3A_75 = arith.constant 0 : i32
      %dma_wait3A_76 = tpu.memref_slice %arg4[%add3A_17, %dma_wait3A_75] : memref<2560x125xi32, #tpu.memory_space<hbm>> -> memref<40x125xi32, #tpu.memory_space<hbm>>
      tpu.wait_dma2 semaphore(%run_scoped3A : memref<!tpu.dma_semaphore, #tpu.memory_space<semaphore_mem>>) src(%dma_wait3A_76 : memref<40x125xi32, #tpu.memory_space<hbm>>) dst(%arg8 : memref<40x125xi32, #tpu.memory_space<vmem>>)
      tpu.yield
    }) : () -> ()
    %dma_start3A = arith.constant 0 : i32
    %dma_start3A_18 = arith.constant 0 : i32
    %dma_start3A_19 = tpu.memref_slice %arg7[%dma_start3A, %dma_start3A_18] : memref<40x125xi32, #tpu.memory_space<vmem>> -> memref<1x125xi32, #tpu.memory_space<vmem>>
    %dma_start3A_20 = tpu.memref_squeeze %dma_start3A_19 : memref<1x125xi32, #tpu.memory_space<vmem>> -> memref<125xi32, #tpu.memory_space<vmem>>
    %dma_start3A_21 = arith.constant 0 : i32
    %dma_start3A_22 = arith.constant 0 : i32
    %dma_start3A_23 = tpu.memref_slice %arg2[%dma_start3A_21, %dma_start3A_22] : memref<10000x128xf32, #tpu.memory_space<hbm>> -> memref<10000x128xf32, #tpu.memory_space<hbm>>
    tpu.enqueue_indirect_dma source(%dma_start3A_23 : memref<10000x128xf32, #tpu.memory_space<hbm>>) target(%arg9 : memref<125x128xf32, #tpu.memory_space<vmem>>) offsets(%dma_start3A_20 : memref<125xi32, #tpu.memory_space<vmem>>) semaphore(%arg12 : memref<!tpu.dma_semaphore, #tpu.memory_space<semaphore_mem>>)
    %scan3A = arith.constant 0 : i32
    %scan3A_24 = arith.constant 0 : i32
    %scan3A_25 = arith.constant 20 : i32
    %scan3A_26 = arith.addi %scan3A_24, %scan3A_25 : i32
    %scan3A_27 = arith.constant 1 : i32
    scf.for %scan3A_69 = %scan3A_24 to %scan3A_26 step %scan3A_27  : i32 {
      %mul3A_70 = arith.constant 2 : i32
      %mul3A_71 = arith.muli %mul3A_70, %scan3A_69 : i32
      %add3A_72 = arith.constant 1 : i32
      %add3A_73 = arith.addi %mul3A_71, %add3A_72 : i32
      %dma_start3A_74 = arith.constant 0 : i32
      %dma_start3A_75 = tpu.memref_slice %arg7[%add3A_73, %dma_start3A_74] : memref<40x125xi32, #tpu.memory_space<vmem>> -> memref<1x125xi32, #tpu.memory_space<vmem>>
      %dma_start3A_76 = tpu.memref_squeeze %dma_start3A_75 : memref<1x125xi32, #tpu.memory_space<vmem>> -> memref<125xi32, #tpu.memory_space<vmem>>
      %dma_start3A_77 = arith.constant 0 : i32
      %dma_start3A_78 = arith.constant 0 : i32
      %dma_start3A_79 = tpu.memref_slice %arg2[%dma_start3A_77, %dma_start3A_78] : memref<10000x128xf32, #tpu.memory_space<hbm>> -> memref<10000x128xf32, #tpu.memory_space<hbm>>
      tpu.enqueue_indirect_dma source(%dma_start3A_79 : memref<10000x128xf32, #tpu.memory_space<hbm>>) target(%arg10 : memref<125x128xf32, #tpu.memory_space<vmem>>) offsets(%dma_start3A_76 : memref<125xi32, #tpu.memory_space<vmem>>) semaphore(%arg13 : memref<!tpu.dma_semaphore, #tpu.memory_space<semaphore_mem>>)
      %dma_wait3A_80 = arith.constant 0 : i32
      %dma_wait3A_81 = tpu.memref_slice %arg7[%mul3A_71, %dma_wait3A_80] : memref<40x125xi32, #tpu.memory_space<vmem>> -> memref<1x125xi32, #tpu.memory_space<vmem>>
      %dma_wait3A_82 = tpu.memref_squeeze %dma_wait3A_81 : memref<1x125xi32, #tpu.memory_space<vmem>> -> memref<125xi32, #tpu.memory_space<vmem>>
      %dma_wait3A_83 = arith.constant 0 : i32
      %dma_wait3A_84 = arith.constant 0 : i32
      %dma_wait3A_85 = tpu.memref_slice %arg2[%dma_wait3A_83, %dma_wait3A_84] : memref<10000x128xf32, #tpu.memory_space<hbm>> -> memref<10000x128xf32, #tpu.memory_space<hbm>>
      tpu.wait_indirect_dma semaphore(%arg12 : memref<!tpu.dma_semaphore, #tpu.memory_space<semaphore_mem>>) src(%dma_wait3A_85 : memref<10000x128xf32, #tpu.memory_space<hbm>>) dst(%arg9 : memref<125x128xf32, #tpu.memory_space<vmem>>)
      "tpu.region"() ({
        %run_scoped3A = tpu.sem_alloc : memref<!tpu.dma_semaphore, #tpu.memory_space<semaphore_mem>>
        %dma_start3A_105 = arith.constant 0 : i32
        %dma_start3A_106 = tpu.memref_slice %arg8[%mul3A_71, %dma_start3A_105] : memref<40x125xi32, #tpu.memory_space<vmem>> -> memref<1x125xi32, #tpu.memory_space<vmem>>
        %dma_start3A_107 = tpu.memref_squeeze %dma_start3A_106 : memref<1x125xi32, #tpu.memory_space<vmem>> -> memref<125xi32, #tpu.memory_space<vmem>>
        %dma_start3A_108 = arith.constant 0 : i32
        %dma_start3A_109 = arith.constant 0 : i32
        %dma_start3A_110 = tpu.memref_slice %arg11[%dma_start3A_108, %dma_start3A_109] : memref<10000x128xf32, #tpu.memory_space<vmem_shared>> -> memref<10000x128xf32, #tpu.memory_space<vmem_shared>>
        tpu.enqueue_indirect_dma source(%arg9 : memref<125x128xf32, #tpu.memory_space<vmem>>) target(%dma_start3A_110 : memref<10000x128xf32, #tpu.memory_space<vmem_shared>>) offsets(%dma_start3A_107 : memref<125xi32, #tpu.memory_space<vmem>>) semaphore(%run_scoped3A : memref<!tpu.dma_semaphore, #tpu.memory_space<semaphore_mem>>) {add = true}
        %dma_wait3A_111 = arith.constant 0 : i32
        %dma_wait3A_112 = tpu.memref_slice %arg8[%mul3A_71, %dma_wait3A_111] : memref<40x125xi32, #tpu.memory_space<vmem>> -> memref<1x125xi32, #tpu.memory_space<vmem>>
        %dma_wait3A_113 = tpu.memref_squeeze %dma_wait3A_112 : memref<1x125xi32, #tpu.memory_space<vmem>> -> memref<125xi32, #tpu.memory_space<vmem>>
        %dma_wait3A_114 = arith.constant 0 : i32
        %dma_wait3A_115 = arith.constant 0 : i32
        %dma_wait3A_116 = tpu.memref_slice %arg11[%dma_wait3A_114, %dma_wait3A_115] : memref<10000x128xf32, #tpu.memory_space<vmem_shared>> -> memref<10000x128xf32, #tpu.memory_space<vmem_shared>>
        tpu.wait_indirect_dma semaphore(%run_scoped3A : memref<!tpu.dma_semaphore, #tpu.memory_space<semaphore_mem>>) src(%arg9 : memref<125x128xf32, #tpu.memory_space<vmem>>) dst(%dma_wait3A_116 : memref<10000x128xf32, #tpu.memory_space<vmem_shared>>)
        tpu.yield
      }) : () -> ()
      %add3A_86 = arith.constant 2 : i32
      %add3A_87 = arith.addi %mul3A_71, %add3A_86 : i32
      %min3A = arith.constant 39 : i32
      %min3A_88 = arith.minsi %add3A_87, %min3A : i32
      %dma_start3A_89 = arith.constant 0 : i32
      %dma_start3A_90 = tpu.memref_slice %arg7[%min3A_88, %dma_start3A_89] : memref<40x125xi32, #tpu.memory_space<vmem>> -> memref<1x125xi32, #tpu.memory_space<vmem>>
      %dma_start3A_91 = tpu.memref_squeeze %dma_start3A_90 : memref<1x125xi32, #tpu.memory_space<vmem>> -> memref<125xi32, #tpu.memory_space<vmem>>
      %dma_start3A_92 = arith.constant 0 : i32
      %dma_start3A_93 = arith.constant 0 : i32
      %dma_start3A_94 = tpu.memref_slice %arg2[%dma_start3A_92, %dma_start3A_93] : memref<10000x128xf32, #tpu.memory_space<hbm>> -> memref<10000x128xf32, #tpu.memory_space<hbm>>
      tpu.enqueue_indirect_dma source(%dma_start3A_94 : memref<10000x128xf32, #tpu.memory_space<hbm>>) target(%arg9 : memref<125x128xf32, #tpu.memory_space<vmem>>) offsets(%dma_start3A_91 : memref<125xi32, #tpu.memory_space<vmem>>) semaphore(%arg12 : memref<!tpu.dma_semaphore, #tpu.memory_space<semaphore_mem>>)
      %add3A_95 = arith.constant 1 : i32
      %add3A_96 = arith.addi %mul3A_71, %add3A_95 : i32
      %dma_wait3A_97 = arith.constant 0 : i32
      %dma_wait3A_98 = tpu.memref_slice %arg7[%add3A_96, %dma_wait3A_97] : memref<40x125xi32, #tpu.memory_space<vmem>> -> memref<1x125xi32, #tpu.memory_space<vmem>>
      %dma_wait3A_99 = tpu.memref_squeeze %dma_wait3A_98 : memref<1x125xi32, #tpu.memory_space<vmem>> -> memref<125xi32, #tpu.memory_space<vmem>>
      %dma_wait3A_100 = arith.constant 0 : i32
      %dma_wait3A_101 = arith.constant 0 : i32
      %dma_wait3A_102 = tpu.memref_slice %arg2[%dma_wait3A_100, %dma_wait3A_101] : memref<10000x128xf32, #tpu.memory_space<hbm>> -> memref<10000x128xf32, #tpu.memory_space<hbm>>
      tpu.wait_indirect_dma semaphore(%arg13 : memref<!tpu.dma_semaphore, #tpu.memory_space<semaphore_mem>>) src(%dma_wait3A_102 : memref<10000x128xf32, #tpu.memory_space<hbm>>) dst(%arg10 : memref<125x128xf32, #tpu.memory_space<vmem>>)
      %add3A_103 = arith.constant 1 : i32
      %add3A_104 = arith.addi %mul3A_71, %add3A_103 : i32
      "tpu.region"() ({
        %run_scoped3A = tpu.sem_alloc : memref<!tpu.dma_semaphore, #tpu.memory_space<semaphore_mem>>
        %dma_start3A_105 = arith.constant 0 : i32
        %dma_start3A_106 = tpu.memref_slice %arg8[%add3A_104, %dma_start3A_105] : memref<40x125xi32, #tpu.memory_space<vmem>> -> memref<1x125xi32, #tpu.memory_space<vmem>>
        %dma_start3A_107 = tpu.memref_squeeze %dma_start3A_106 : memref<1x125xi32, #tpu.memory_space<vmem>> -> memref<125xi32, #tpu.memory_space<vmem>>
        %dma_start3A_108 = arith.constant 0 : i32
        %dma_start3A_109 = arith.constant 0 : i32
        %dma_start3A_110 = tpu.memref_slice %arg11[%dma_start3A_108, %dma_start3A_109] : memref<10000x128xf32, #tpu.memory_space<vmem_shared>> -> memref<10000x128xf32, #tpu.memory_space<vmem_shared>>
        tpu.enqueue_indirect_dma source(%arg10 : memref<125x128xf32, #tpu.memory_space<vmem>>) target(%dma_start3A_110 : memref<10000x128xf32, #tpu.memory_space<vmem_shared>>) offsets(%dma_start3A_107 : memref<125xi32, #tpu.memory_space<vmem>>) semaphore(%run_scoped3A : memref<!tpu.dma_semaphore, #tpu.memory_space<semaphore_mem>>) {add = true}
        %dma_wait3A_111 = arith.constant 0 : i32
        %dma_wait3A_112 = tpu.memref_slice %arg8[%add3A_104, %dma_wait3A_111] : memref<40x125xi32, #tpu.memory_space<vmem>> -> memref<1x125xi32, #tpu.memory_space<vmem>>
        %dma_wait3A_113 = tpu.memref_squeeze %dma_wait3A_112 : memref<1x125xi32, #tpu.memory_space<vmem>> -> memref<125xi32, #tpu.memory_space<vmem>>
        %dma_wait3A_114 = arith.constant 0 : i32
        %dma_wait3A_115 = arith.constant 0 : i32
        %dma_wait3A_116 = tpu.memref_slice %arg11[%dma_wait3A_114, %dma_wait3A_115] : memref<10000x128xf32, #tpu.memory_space<vmem_shared>> -> memref<10000x128xf32, #tpu.memory_space<vmem_shared>>
        tpu.wait_indirect_dma semaphore(%run_scoped3A : memref<!tpu.dma_semaphore, #tpu.memory_space<semaphore_mem>>) src(%arg10 : memref<125x128xf32, #tpu.memory_space<vmem>>) dst(%dma_wait3A_116 : memref<10000x128xf32, #tpu.memory_space<vmem_shared>>)
        tpu.yield
      }) : () -> ()
    }
    %scan3A_28 = arith.constant 20 : i32
    %dma_wait3A = arith.constant 39 : i32
    %dma_wait3A_29 = arith.constant 0 : i32
    %dma_wait3A_30 = tpu.memref_slice %arg7[%dma_wait3A, %dma_wait3A_29] : memref<40x125xi32, #tpu.memory_space<vmem>> -> memref<1x125xi32, #tpu.memory_space<vmem>>
    %dma_wait3A_31 = tpu.memref_squeeze %dma_wait3A_30 : memref<1x125xi32, #tpu.memory_space<vmem>> -> memref<125xi32, #tpu.memory_space<vmem>>
    %dma_wait3A_32 = arith.constant 0 : i32
    %dma_wait3A_33 = arith.constant 0 : i32
    %dma_wait3A_34 = tpu.memref_slice %arg2[%dma_wait3A_32, %dma_wait3A_33] : memref<10000x128xf32, #tpu.memory_space<hbm>> -> memref<10000x128xf32, #tpu.memory_space<hbm>>
    tpu.wait_indirect_dma semaphore(%arg12 : memref<!tpu.dma_semaphore, #tpu.memory_space<semaphore_mem>>) src(%dma_wait3A_34 : memref<10000x128xf32, #tpu.memory_space<hbm>>) dst(%arg9 : memref<125x128xf32, #tpu.memory_space<vmem>>)
    %mul3A_35 = arith.constant 80 : i32
    %mul3A_36 = arith.muli %add3A, %mul3A_35 : i32
    %add3A_37 = arith.constant 40 : i32
    %add3A_38 = arith.addi %mul3A_36, %add3A_37 : i32
    "tpu.region"() ({
      %run_scoped3A = tpu.sem_alloc : memref<!tpu.dma_semaphore, #tpu.memory_space<semaphore_mem>>
      %dma_start3A_69 = arith.constant 0 : i32
      %dma_start3A_70 = tpu.memref_slice %arg3[%add3A_38, %dma_start3A_69] : memref<2560x125xi32, #tpu.memory_space<hbm>> -> memref<40x125xi32, #tpu.memory_space<hbm>>
      %dma_start3A_71 = arith.constant 0 : i32
      %dma_start3A_72 = tpu.memref_slice %arg3[%add3A_38, %dma_start3A_71] : memref<2560x125xi32, #tpu.memory_space<hbm>> -> memref<40x125xi32, #tpu.memory_space<hbm>>
      tpu.enqueue_dma source(%dma_start3A_72 : memref<40x125xi32, #tpu.memory_space<hbm>>) target(%arg7 : memref<40x125xi32, #tpu.memory_space<vmem>>) target_semaphore(%run_scoped3A : memref<!tpu.dma_semaphore, #tpu.memory_space<semaphore_mem>>)
      %dma_wait3A_73 = arith.constant 0 : i32
      %dma_wait3A_74 = tpu.memref_slice %arg3[%add3A_38, %dma_wait3A_73] : memref<2560x125xi32, #tpu.memory_space<hbm>> -> memref<40x125xi32, #tpu.memory_space<hbm>>
      %dma_wait3A_75 = arith.constant 0 : i32
      %dma_wait3A_76 = tpu.memref_slice %arg3[%add3A_38, %dma_wait3A_75] : memref<2560x125xi32, #tpu.memory_space<hbm>> -> memref<40x125xi32, #tpu.memory_space<hbm>>
      tpu.wait_dma2 semaphore(%run_scoped3A : memref<!tpu.dma_semaphore, #tpu.memory_space<semaphore_mem>>) src(%dma_wait3A_76 : memref<40x125xi32, #tpu.memory_space<hbm>>) dst(%arg7 : memref<40x125xi32, #tpu.memory_space<vmem>>)
      tpu.yield
    }) : () -> ()
    %mul3A_39 = arith.constant 80 : i32
    %mul3A_40 = arith.muli %add3A, %mul3A_39 : i32
    %add3A_41 = arith.constant 40 : i32
    %add3A_42 = arith.addi %mul3A_40, %add3A_41 : i32
    "tpu.region"() ({
      %run_scoped3A = tpu.sem_alloc : memref<!tpu.dma_semaphore, #tpu.memory_space<semaphore_mem>>
      %dma_start3A_69 = arith.constant 0 : i32
      %dma_start3A_70 = tpu.memref_slice %arg4[%add3A_42, %dma_start3A_69] : memref<2560x125xi32, #tpu.memory_space<hbm>> -> memref<40x125xi32, #tpu.memory_space<hbm>>
      %dma_start3A_71 = arith.constant 0 : i32
      %dma_start3A_72 = tpu.memref_slice %arg4[%add3A_42, %dma_start3A_71] : memref<2560x125xi32, #tpu.memory_space<hbm>> -> memref<40x125xi32, #tpu.memory_space<hbm>>
      tpu.enqueue_dma source(%dma_start3A_72 : memref<40x125xi32, #tpu.memory_space<hbm>>) target(%arg8 : memref<40x125xi32, #tpu.memory_space<vmem>>) target_semaphore(%run_scoped3A : memref<!tpu.dma_semaphore, #tpu.memory_space<semaphore_mem>>)
      %dma_wait3A_73 = arith.constant 0 : i32
      %dma_wait3A_74 = tpu.memref_slice %arg4[%add3A_42, %dma_wait3A_73] : memref<2560x125xi32, #tpu.memory_space<hbm>> -> memref<40x125xi32, #tpu.memory_space<hbm>>
      %dma_wait3A_75 = arith.constant 0 : i32
      %dma_wait3A_76 = tpu.memref_slice %arg4[%add3A_42, %dma_wait3A_75] : memref<2560x125xi32, #tpu.memory_space<hbm>> -> memref<40x125xi32, #tpu.memory_space<hbm>>
      tpu.wait_dma2 semaphore(%run_scoped3A : memref<!tpu.dma_semaphore, #tpu.memory_space<semaphore_mem>>) src(%dma_wait3A_76 : memref<40x125xi32, #tpu.memory_space<hbm>>) dst(%arg8 : memref<40x125xi32, #tpu.memory_space<vmem>>)
      tpu.yield
    }) : () -> ()
    %dma_start3A_43 = arith.constant 0 : i32
    %dma_start3A_44 = arith.constant 0 : i32
    %dma_start3A_45 = tpu.memref_slice %arg7[%dma_start3A_43, %dma_start3A_44] : memref<40x125xi32, #tpu.memory_space<vmem>> -> memref<1x125xi32, #tpu.memory_space<vmem>>
    %dma_start3A_46 = tpu.memref_squeeze %dma_start3A_45 : memref<1x125xi32, #tpu.memory_space<vmem>> -> memref<125xi32, #tpu.memory_space<vmem>>
    %dma_start3A_47 = arith.constant 0 : i32
    %dma_start3A_48 = arith.constant 0 : i32
    %dma_start3A_49 = tpu.memref_slice %arg2[%dma_start3A_47, %dma_start3A_48] : memref<10000x128xf32, #tpu.memory_space<hbm>> -> memref<10000x128xf32, #tpu.memory_space<hbm>>
    tpu.enqueue_indirect_dma source(%dma_start3A_49 : memref<10000x128xf32, #tpu.memory_space<hbm>>) target(%arg9 : memref<125x128xf32, #tpu.memory_space<vmem>>) offsets(%dma_start3A_46 : memref<125xi32, #tpu.memory_space<vmem>>) semaphore(%arg12 : memref<!tpu.dma_semaphore, #tpu.memory_space<semaphore_mem>>)
    %scan3A_50 = arith.constant 0 : i32
    %scan3A_51 = arith.constant 0 : i32
    %scan3A_52 = arith.constant 20 : i32
    %scan3A_53 = arith.addi %scan3A_51, %scan3A_52 : i32
    %scan3A_54 = arith.constant 1 : i32
    scf.for %scan3A_69 = %scan3A_51 to %scan3A_53 step %scan3A_54  : i32 {
      %mul3A_70 = arith.constant 2 : i32
      %mul3A_71 = arith.muli %mul3A_70, %scan3A_69 : i32
      %add3A_72 = arith.constant 1 : i32
      %add3A_73 = arith.addi %mul3A_71, %add3A_72 : i32
      %dma_start3A_74 = arith.constant 0 : i32
      %dma_start3A_75 = tpu.memref_slice %arg7[%add3A_73, %dma_start3A_74] : memref<40x125xi32, #tpu.memory_space<vmem>> -> memref<1x125xi32, #tpu.memory_space<vmem>>
      %dma_start3A_76 = tpu.memref_squeeze %dma_start3A_75 : memref<1x125xi32, #tpu.memory_space<vmem>> -> memref<125xi32, #tpu.memory_space<vmem>>
      %dma_start3A_77 = arith.constant 0 : i32
      %dma_start3A_78 = arith.constant 0 : i32
      %dma_start3A_79 = tpu.memref_slice %arg2[%dma_start3A_77, %dma_start3A_78] : memref<10000x128xf32, #tpu.memory_space<hbm>> -> memref<10000x128xf32, #tpu.memory_space<hbm>>
      tpu.enqueue_indirect_dma source(%dma_start3A_79 : memref<10000x128xf32, #tpu.memory_space<hbm>>) target(%arg10 : memref<125x128xf32, #tpu.memory_space<vmem>>) offsets(%dma_start3A_76 : memref<125xi32, #tpu.memory_space<vmem>>) semaphore(%arg13 : memref<!tpu.dma_semaphore, #tpu.memory_space<semaphore_mem>>)
      %dma_wait3A_80 = arith.constant 0 : i32
      %dma_wait3A_81 = tpu.memref_slice %arg7[%mul3A_71, %dma_wait3A_80] : memref<40x125xi32, #tpu.memory_space<vmem>> -> memref<1x125xi32, #tpu.memory_space<vmem>>
      %dma_wait3A_82 = tpu.memref_squeeze %dma_wait3A_81 : memref<1x125xi32, #tpu.memory_space<vmem>> -> memref<125xi32, #tpu.memory_space<vmem>>
      %dma_wait3A_83 = arith.constant 0 : i32
      %dma_wait3A_84 = arith.constant 0 : i32
      %dma_wait3A_85 = tpu.memref_slice %arg2[%dma_wait3A_83, %dma_wait3A_84] : memref<10000x128xf32, #tpu.memory_space<hbm>> -> memref<10000x128xf32, #tpu.memory_space<hbm>>
      tpu.wait_indirect_dma semaphore(%arg12 : memref<!tpu.dma_semaphore, #tpu.memory_space<semaphore_mem>>) src(%dma_wait3A_85 : memref<10000x128xf32, #tpu.memory_space<hbm>>) dst(%arg9 : memref<125x128xf32, #tpu.memory_space<vmem>>)
      "tpu.region"() ({
        %run_scoped3A = tpu.sem_alloc : memref<!tpu.dma_semaphore, #tpu.memory_space<semaphore_mem>>
        %dma_start3A_105 = arith.constant 0 : i32
        %dma_start3A_106 = tpu.memref_slice %arg8[%mul3A_71, %dma_start3A_105] : memref<40x125xi32, #tpu.memory_space<vmem>> -> memref<1x125xi32, #tpu.memory_space<vmem>>
        %dma_start3A_107 = tpu.memref_squeeze %dma_start3A_106 : memref<1x125xi32, #tpu.memory_space<vmem>> -> memref<125xi32, #tpu.memory_space<vmem>>
        %dma_start3A_108 = arith.constant 0 : i32
        %dma_start3A_109 = arith.constant 0 : i32
        %dma_start3A_110 = tpu.memref_slice %arg11[%dma_start3A_108, %dma_start3A_109] : memref<10000x128xf32, #tpu.memory_space<vmem_shared>> -> memref<10000x128xf32, #tpu.memory_space<vmem_shared>>
        tpu.enqueue_indirect_dma source(%arg9 : memref<125x128xf32, #tpu.memory_space<vmem>>) target(%dma_start3A_110 : memref<10000x128xf32, #tpu.memory_space<vmem_shared>>) offsets(%dma_start3A_107 : memref<125xi32, #tpu.memory_space<vmem>>) semaphore(%run_scoped3A : memref<!tpu.dma_semaphore, #tpu.memory_space<semaphore_mem>>) {add = true}
        %dma_wait3A_111 = arith.constant 0 : i32
        %dma_wait3A_112 = tpu.memref_slice %arg8[%mul3A_71, %dma_wait3A_111] : memref<40x125xi32, #tpu.memory_space<vmem>> -> memref<1x125xi32, #tpu.memory_space<vmem>>
        %dma_wait3A_113 = tpu.memref_squeeze %dma_wait3A_112 : memref<1x125xi32, #tpu.memory_space<vmem>> -> memref<125xi32, #tpu.memory_space<vmem>>
        %dma_wait3A_114 = arith.constant 0 : i32
        %dma_wait3A_115 = arith.constant 0 : i32
        %dma_wait3A_116 = tpu.memref_slice %arg11[%dma_wait3A_114, %dma_wait3A_115] : memref<10000x128xf32, #tpu.memory_space<vmem_shared>> -> memref<10000x128xf32, #tpu.memory_space<vmem_shared>>
        tpu.wait_indirect_dma semaphore(%run_scoped3A : memref<!tpu.dma_semaphore, #tpu.memory_space<semaphore_mem>>) src(%arg9 : memref<125x128xf32, #tpu.memory_space<vmem>>) dst(%dma_wait3A_116 : memref<10000x128xf32, #tpu.memory_space<vmem_shared>>)
        tpu.yield
      }) : () -> ()
      %add3A_86 = arith.constant 2 : i32
      %add3A_87 = arith.addi %mul3A_71, %add3A_86 : i32
      %min3A = arith.constant 39 : i32
      %min3A_88 = arith.minsi %add3A_87, %min3A : i32
      %dma_start3A_89 = arith.constant 0 : i32
      %dma_start3A_90 = tpu.memref_slice %arg7[%min3A_88, %dma_start3A_89] : memref<40x125xi32, #tpu.memory_space<vmem>> -> memref<1x125xi32, #tpu.memory_space<vmem>>
      %dma_start3A_91 = tpu.memref_squeeze %dma_start3A_90 : memref<1x125xi32, #tpu.memory_space<vmem>> -> memref<125xi32, #tpu.memory_space<vmem>>
      %dma_start3A_92 = arith.constant 0 : i32
      %dma_start3A_93 = arith.constant 0 : i32
      %dma_start3A_94 = tpu.memref_slice %arg2[%dma_start3A_92, %dma_start3A_93] : memref<10000x128xf32, #tpu.memory_space<hbm>> -> memref<10000x128xf32, #tpu.memory_space<hbm>>
      tpu.enqueue_indirect_dma source(%dma_start3A_94 : memref<10000x128xf32, #tpu.memory_space<hbm>>) target(%arg9 : memref<125x128xf32, #tpu.memory_space<vmem>>) offsets(%dma_start3A_91 : memref<125xi32, #tpu.memory_space<vmem>>) semaphore(%arg12 : memref<!tpu.dma_semaphore, #tpu.memory_space<semaphore_mem>>)
      %add3A_95 = arith.constant 1 : i32
      %add3A_96 = arith.addi %mul3A_71, %add3A_95 : i32
      %dma_wait3A_97 = arith.constant 0 : i32
      %dma_wait3A_98 = tpu.memref_slice %arg7[%add3A_96, %dma_wait3A_97] : memref<40x125xi32, #tpu.memory_space<vmem>> -> memref<1x125xi32, #tpu.memory_space<vmem>>
      %dma_wait3A_99 = tpu.memref_squeeze %dma_wait3A_98 : memref<1x125xi32, #tpu.memory_space<vmem>> -> memref<125xi32, #tpu.memory_space<vmem>>
      %dma_wait3A_100 = arith.constant 0 : i32
      %dma_wait3A_101 = arith.constant 0 : i32
      %dma_wait3A_102 = tpu.memref_slice %arg2[%dma_wait3A_100, %dma_wait3A_101] : memref<10000x128xf32, #tpu.memory_space<hbm>> -> memref<10000x128xf32, #tpu.memory_space<hbm>>
      tpu.wait_indirect_dma semaphore(%arg13 : memref<!tpu.dma_semaphore, #tpu.memory_space<semaphore_mem>>) src(%dma_wait3A_102 : memref<10000x128xf32, #tpu.memory_space<hbm>>) dst(%arg10 : memref<125x128xf32, #tpu.memory_space<vmem>>)
      %add3A_103 = arith.constant 1 : i32
      %add3A_104 = arith.addi %mul3A_71, %add3A_103 : i32
      "tpu.region"() ({
        %run_scoped3A = tpu.sem_alloc : memref<!tpu.dma_semaphore, #tpu.memory_space<semaphore_mem>>
        %dma_start3A_105 = arith.constant 0 : i32
        %dma_start3A_106 = tpu.memref_slice %arg8[%add3A_104, %dma_start3A_105] : memref<40x125xi32, #tpu.memory_space<vmem>> -> memref<1x125xi32, #tpu.memory_space<vmem>>
        %dma_start3A_107 = tpu.memref_squeeze %dma_start3A_106 : memref<1x125xi32, #tpu.memory_space<vmem>> -> memref<125xi32, #tpu.memory_space<vmem>>
        %dma_start3A_108 = arith.constant 0 : i32
        %dma_start3A_109 = arith.constant 0 : i32
        %dma_start3A_110 = tpu.memref_slice %arg11[%dma_start3A_108, %dma_start3A_109] : memref<10000x128xf32, #tpu.memory_space<vmem_shared>> -> memref<10000x128xf32, #tpu.memory_space<vmem_shared>>
        tpu.enqueue_indirect_dma source(%arg10 : memref<125x128xf32, #tpu.memory_space<vmem>>) target(%dma_start3A_110 : memref<10000x128xf32, #tpu.memory_space<vmem_shared>>) offsets(%dma_start3A_107 : memref<125xi32, #tpu.memory_space<vmem>>) semaphore(%run_scoped3A : memref<!tpu.dma_semaphore, #tpu.memory_space<semaphore_mem>>) {add = true}
        %dma_wait3A_111 = arith.constant 0 : i32
        %dma_wait3A_112 = tpu.memref_slice %arg8[%add3A_104, %dma_wait3A_111] : memref<40x125xi32, #tpu.memory_space<vmem>> -> memref<1x125xi32, #tpu.memory_space<vmem>>
        %dma_wait3A_113 = tpu.memref_squeeze %dma_wait3A_112 : memref<1x125xi32, #tpu.memory_space<vmem>> -> memref<125xi32, #tpu.memory_space<vmem>>
        %dma_wait3A_114 = arith.constant 0 : i32
        %dma_wait3A_115 = arith.constant 0 : i32
        %dma_wait3A_116 = tpu.memref_slice %arg11[%dma_wait3A_114, %dma_wait3A_115] : memref<10000x128xf32, #tpu.memory_space<vmem_shared>> -> memref<10000x128xf32, #tpu.memory_space<vmem_shared>>
        tpu.wait_indirect_dma semaphore(%run_scoped3A : memref<!tpu.dma_semaphore, #tpu.memory_space<semaphore_mem>>) src(%arg10 : memref<125x128xf32, #tpu.memory_space<vmem>>) dst(%dma_wait3A_116 : memref<10000x128xf32, #tpu.memory_space<vmem_shared>>)
        tpu.yield
      }) : () -> ()
    }
    %scan3A_55 = arith.constant 20 : i32
    %dma_wait3A_56 = arith.constant 39 : i32
    %dma_wait3A_57 = arith.constant 0 : i32
    %dma_wait3A_58 = tpu.memref_slice %arg7[%dma_wait3A_56, %dma_wait3A_57] : memref<40x125xi32, #tpu.memory_space<vmem>> -> memref<1x125xi32, #tpu.memory_space<vmem>>
    %dma_wait3A_59 = tpu.memref_squeeze %dma_wait3A_58 : memref<1x125xi32, #tpu.memory_space<vmem>> -> memref<125xi32, #tpu.memory_space<vmem>>
    %dma_wait3A_60 = arith.constant 0 : i32
    %dma_wait3A_61 = arith.constant 0 : i32
    %dma_wait3A_62 = tpu.memref_slice %arg2[%dma_wait3A_60, %dma_wait3A_61] : memref<10000x128xf32, #tpu.memory_space<hbm>> -> memref<10000x128xf32, #tpu.memory_space<hbm>>
    tpu.wait_indirect_dma semaphore(%arg12 : memref<!tpu.dma_semaphore, #tpu.memory_space<semaphore_mem>>) src(%dma_wait3A_62 : memref<10000x128xf32, #tpu.memory_space<hbm>>) dst(%arg9 : memref<125x128xf32, #tpu.memory_space<vmem>>)
    %barrier3A_63 = arith.constant 0 : index
    tpu.barrier barrier_id(%barrier3A_63)
    "tpu.region"() ({
      %run_scoped3A = tpu.sem_alloc : memref<!tpu.dma_semaphore, #tpu.memory_space<semaphore_mem>>
      %dma_start3A_69 = arith.constant 0 : i32
      %dma_start3A_70 = arith.constant 0 : i32
      %dma_start3A_71 = tpu.memref_slice %arg6[%arg0, %dma_start3A_69, %dma_start3A_70] : memref<2x10000x128xf32, #tpu.memory_space<hbm>> -> memref<1x10000x128xf32, #tpu.memory_space<hbm>>
      %dma_start3A_72 = tpu.memref_squeeze %dma_start3A_71 : memref<1x10000x128xf32, #tpu.memory_space<hbm>> -> memref<10000x128xf32, #tpu.memory_space<hbm>>
      %dma_start3A_73 = arith.constant 0 : i32
      %dma_start3A_74 = tpu.memref_slice %dma_start3A_72[%mul3A_2, %dma_start3A_73] : memref<10000x128xf32, #tpu.memory_space<hbm>> -> memref<624x128xf32, #tpu.memory_space<hbm>>
      %dma_start3A_75 = arith.constant 0 : i32
      %dma_start3A_76 = tpu.memref_slice %arg11[%mul3A_2, %dma_start3A_75] : memref<10000x128xf32, #tpu.memory_space<vmem_shared>> -> memref<624x128xf32, #tpu.memory_space<vmem_shared>>
      tpu.enqueue_dma source(%dma_start3A_76 : memref<624x128xf32, #tpu.memory_space<vmem_shared>>) target(%dma_start3A_74 : memref<624x128xf32, #tpu.memory_space<hbm>>) target_semaphore(%run_scoped3A : memref<!tpu.dma_semaphore, #tpu.memory_space<semaphore_mem>>)
      %dma_wait3A_77 = arith.constant 0 : i32
      %dma_wait3A_78 = arith.constant 0 : i32
      %dma_wait3A_79 = tpu.memref_slice %arg6[%arg0, %dma_wait3A_77, %dma_wait3A_78] : memref<2x10000x128xf32, #tpu.memory_space<hbm>> -> memref<1x10000x128xf32, #tpu.memory_space<hbm>>
      %dma_wait3A_80 = tpu.memref_squeeze %dma_wait3A_79 : memref<1x10000x128xf32, #tpu.memory_space<hbm>> -> memref<10000x128xf32, #tpu.memory_space<hbm>>
      %dma_wait3A_81 = arith.constant 0 : i32
      %dma_wait3A_82 = tpu.memref_slice %dma_wait3A_80[%mul3A_2, %dma_wait3A_81] : memref<10000x128xf32, #tpu.memory_space<hbm>> -> memref<624x128xf32, #tpu.memory_space<hbm>>
      %dma_wait3A_83 = arith.constant 0 : i32
      %dma_wait3A_84 = tpu.memref_slice %arg11[%mul3A_2, %dma_wait3A_83] : memref<10000x128xf32, #tpu.memory_space<vmem_shared>> -> memref<624x128xf32, #tpu.memory_space<vmem_shared>>
      tpu.wait_dma2 semaphore(%run_scoped3A : memref<!tpu.dma_semaphore, #tpu.memory_space<semaphore_mem>>) src(%dma_wait3A_84 : memref<624x128xf32, #tpu.memory_space<vmem_shared>>) dst(%dma_wait3A_82 : memref<624x128xf32, #tpu.memory_space<hbm>>)
      tpu.yield
    }) : () -> ()
    %eq3A_64 = arith.constant 15 : i32
    %eq3A_65 = arith.cmpi eq, %arg1, %eq3A_64 : i32
    %convert_element_type3A_66 = arith.extui %eq3A_65 : i1 to i32
    %cond3A_67 = arith.constant 0 : i32
    %cond3A_68 = arith.cmpi ne, %convert_element_type3A_66, %cond3A_67 : i32
    scf.if %cond3A_68 {
      "tpu.region"() ({
        %run_scoped3A = tpu.sem_alloc : memref<!tpu.dma_semaphore, #tpu.memory_space<semaphore_mem>>
        %dma_start3A_69 = arith.constant 0 : i32
        %dma_start3A_70 = arith.constant 0 : i32
        %dma_start3A_71 = tpu.memref_slice %arg6[%arg0, %dma_start3A_69, %dma_start3A_70] : memref<2x10000x128xf32, #tpu.memory_space<hbm>> -> memref<1x10000x128xf32, #tpu.memory_space<hbm>>
        %dma_start3A_72 = tpu.memref_squeeze %dma_start3A_71 : memref<1x10000x128xf32, #tpu.memory_space<hbm>> -> memref<10000x128xf32, #tpu.memory_space<hbm>>
        %dma_start3A_73 = arith.constant 9984 : i32
        %dma_start3A_74 = arith.constant 0 : i32
        %dma_start3A_75 = tpu.memref_slice %dma_start3A_72[%dma_start3A_73, %dma_start3A_74] : memref<10000x128xf32, #tpu.memory_space<hbm>> -> memref<16x128xf32, #tpu.memory_space<hbm>>
        %dma_start3A_76 = arith.constant 9984 : i32
        %dma_start3A_77 = arith.constant 0 : i32
        %dma_start3A_78 = tpu.memref_slice %arg11[%dma_start3A_76, %dma_start3A_77] : memref<10000x128xf32, #tpu.memory_space<vmem_shared>> -> memref<16x128xf32, #tpu.memory_space<vmem_shared>>
        tpu.enqueue_dma source(%dma_start3A_78 : memref<16x128xf32, #tpu.memory_space<vmem_shared>>) target(%dma_start3A_75 : memref<16x128xf32, #tpu.memory_space<hbm>>) target_semaphore(%run_scoped3A : memref<!tpu.dma_semaphore, #tpu.memory_space<semaphore_mem>>)
        %dma_wait3A_79 = arith.constant 0 : i32
        %dma_wait3A_80 = arith.constant 0 : i32
        %dma_wait3A_81 = tpu.memref_slice %arg6[%arg0, %dma_wait3A_79, %dma_wait3A_80] : memref<2x10000x128xf32, #tpu.memory_space<hbm>> -> memref<1x10000x128xf32, #tpu.memory_space<hbm>>
        %dma_wait3A_82 = tpu.memref_squeeze %dma_wait3A_81 : memref<1x10000x128xf32, #tpu.memory_space<hbm>> -> memref<10000x128xf32, #tpu.memory_space<hbm>>
        %dma_wait3A_83 = arith.constant 9984 : i32
        %dma_wait3A_84 = arith.constant 0 : i32
        %dma_wait3A_85 = tpu.memref_slice %dma_wait3A_82[%dma_wait3A_83, %dma_wait3A_84] : memref<10000x128xf32, #tpu.memory_space<hbm>> -> memref<16x128xf32, #tpu.memory_space<hbm>>
        %dma_wait3A_86 = arith.constant 9984 : i32
        %dma_wait3A_87 = arith.constant 0 : i32
        %dma_wait3A_88 = tpu.memref_slice %arg11[%dma_wait3A_86, %dma_wait3A_87] : memref<10000x128xf32, #tpu.memory_space<vmem_shared>> -> memref<16x128xf32, #tpu.memory_space<vmem_shared>>
        tpu.wait_dma2 semaphore(%run_scoped3A : memref<!tpu.dma_semaphore, #tpu.memory_space<semaphore_mem>>) src(%dma_wait3A_88 : memref<16x128xf32, #tpu.memory_space<vmem_shared>>) dst(%dma_wait3A_85 : memref<16x128xf32, #tpu.memory_space<hbm>>)
        tpu.yield
      }) : () -> ()
    } else {
    }
    return
  }
}

module attributes {stable_mosaic.version = 14 : i64} {
  func.func @_tc_a_body(%arg0: i32, %arg1: memref<1000x128xf32, #tpu.memory_space<vmem>>, %arg2: memref<128x128xf32, #tpu.memory_space<vmem>>, %arg3: memref<1000x128xf32, #tpu.memory_space<vmem>>, %arg4: memref<1000x128xf32, #tpu.memory_space<vmem>>, %arg5: memref<1000x128xf32, #tpu.memory_space<vmem>>, %arg6: memref<1000x8xf32, #tpu.memory_space<vmem>>) attributes {dimension_semantics = [#tpu.dimension_semantics<arbitrary>], iteration_bounds = array<i64: 10>, scalar_prefetch = 0 : i64, scratch_operands = 0 : i64, tpu.core_type = #tpu.core_type<tc>, window_params = [{transform_indices = @transform_0, window_bounds = array<i64: 1000, 128>}, {pipeline_mode = #tpu.pipeline_mode<synchronous>, transform_indices = @transform_1, window_bounds = array<i64: 128, 128>}, {transform_indices = @transform_2, window_bounds = array<i64: 1000, 128>}, {transform_indices = @transform_3, window_bounds = array<i64: 1000, 128>}, {transform_indices = @transform_4, window_bounds = array<i64: 1000, 128>}, {transform_indices = @transform_5, window_bounds = array<i64: 1000, 8>}]} {
    %get3A = arith.constant 0 : index
    %get3A_0 = arith.constant 0 : index
    %get3A_1 = vector.load %arg3[%get3A, %get3A_0] : memref<1000x128xf32, #tpu.memory_space<vmem>>, vector<1000x1xf32>
    %get3A_2 = arith.constant 0 : index
    %get3A_3 = arith.constant 0 : index
    %get3A_4 = vector.load %arg4[%get3A_2, %get3A_3] : memref<1000x128xf32, #tpu.memory_space<vmem>>, vector<1000x1xf32>
    %add3A = arith.addf %get3A_1, %get3A_4 : vector<1000x1xf32>
    %add3A_5 = arith.constant 1.000000e+00 : f32
    %add3A_6 = vector.broadcast %add3A_5 : f32 to vector<1000x1xf32>
    %add3A_7 = arith.addf %add3A, %add3A_6 : vector<1000x1xf32>
    %rsqrt3A = math.rsqrt %add3A_7 : vector<1000x1xf32>
    %get3A_8 = arith.constant 0 : index
    %get3A_9 = arith.constant 0 : index
    %get3A_10 = vector.load %arg1[%get3A_8, %get3A_9] : memref<1000x128xf32, #tpu.memory_space<vmem>>, vector<1000x128xf32>
    %get3A_11 = arith.constant 0 : index
    %get3A_12 = arith.constant 0 : index
    %get3A_13 = vector.load %arg2[%get3A_11, %get3A_12] : memref<128x128xf32, #tpu.memory_space<vmem>>, vector<128x128xf32>
    %dot_general3A = arith.constant dense<0.000000e+00> : vector<1000x128xf32>
    %dot_general3A_14 = tpu.matmul %get3A_10, %get3A_13, %dot_general3A {dimension_numbers = #tpu.dot_dimension_numbers<[1], [0], [0], [1], [0, 0, 1, 1], [], []>, transpose_lhs_hint = false} : vector<1000x128xf32>, vector<128x128xf32>, vector<1000x128xf32> -> vector<1000x128xf32>
    %mul3A = vector.broadcast %rsqrt3A : vector<1000x1xf32> to vector<1000x128xf32>
    %mul3A_15 = arith.mulf %dot_general3A_14, %mul3A : vector<1000x128xf32>
    %swap3A = arith.constant 0 : index
    %swap3A_16 = arith.constant 0 : index
    %swap3A_17 = vector.load %arg5[%swap3A, %swap3A_16] : memref<1000x128xf32, #tpu.memory_space<vmem>>, vector<1000x128xf32>
    tpu.vector_store %arg5[%swap3A, %swap3A_16], %mul3A_15 {strides = array<i32>} : memref<1000x128xf32, #tpu.memory_space<vmem>>, vector<1000x128xf32>,
    %broadcast_in_dim3A = vector.shape_cast %rsqrt3A : vector<1000x1xf32> to vector<1000x1xf32>
    %broadcast_in_dim3A_18 = vector.broadcast %broadcast_in_dim3A : vector<1000x1xf32> to vector<1000x8xf32>
    %swap3A_19 = arith.constant 0 : index
    %swap3A_20 = arith.constant 0 : index
    %swap3A_21 = vector.load %arg6[%swap3A_19, %swap3A_20] : memref<1000x8xf32, #tpu.memory_space<vmem>>, vector<1000x8xf32>
    tpu.vector_store %arg6[%swap3A_19, %swap3A_20], %broadcast_in_dim3A_18 {strides = array<i32>} : memref<1000x8xf32, #tpu.memory_space<vmem>>, vector<1000x8xf32>,
    return
  }
  func.func @transform_0(%arg0: i32) -> (i32, i32) {
    %c0_i32 = arith.constant 0 : i32
    %c0_i32_0 = arith.constant 0 : i32
    return %arg0, %c0_i32 : i32, i32
  }
  func.func @transform_1(%arg0: i32) -> (i32, i32) {
    %c0_i32 = arith.constant 0 : i32
    %c0_i32_0 = arith.constant 0 : i32
    %c0_i32_1 = arith.constant 0 : i32
    return %c0_i32, %c0_i32_0 : i32, i32
  }
  func.func @transform_2(%arg0: i32) -> (i32, i32) {
    %c0_i32 = arith.constant 0 : i32
    %c0_i32_0 = arith.constant 0 : i32
    return %arg0, %c0_i32 : i32, i32
  }
  func.func @transform_3(%arg0: i32) -> (i32, i32) {
    %c0_i32 = arith.constant 0 : i32
    %c0_i32_0 = arith.constant 0 : i32
    return %arg0, %c0_i32 : i32, i32
  }
  func.func @transform_4(%arg0: i32) -> (i32, i32) {
    %c0_i32 = arith.constant 0 : i32
    %c0_i32_0 = arith.constant 0 : i32
    return %arg0, %c0_i32 : i32, i32
  }
  func.func @transform_5(%arg0: i32) -> (i32, i32) {
    %c0_i32 = arith.constant 0 : i32
    %c0_i32_0 = arith.constant 0 : i32
    return %arg0, %c0_i32 : i32, i32
  }
}

module attributes {stable_mosaic.version = 14 : i64} {
  func.func @_tc_b_body(%arg0: i32, %arg1: memref<1000x128xf32, #tpu.memory_space<vmem>>, %arg2: memref<1000x128xf32, #tpu.memory_space<vmem>>, %arg3: memref<1000x8xf32, #tpu.memory_space<vmem>>, %arg4: memref<128x128xf32, #tpu.memory_space<vmem>>, %arg5: memref<1x128xf32, #tpu.memory_space<vmem>>, %arg6: memref<1000x128xf32, #tpu.memory_space<vmem>>) attributes {dimension_semantics = [#tpu.dimension_semantics<arbitrary>], iteration_bounds = array<i64: 10>, scalar_prefetch = 0 : i64, scratch_operands = 0 : i64, tpu.core_type = #tpu.core_type<tc>, window_params = [{transform_indices = @transform_0, window_bounds = array<i64: 1000, 128>}, {transform_indices = @transform_1, window_bounds = array<i64: 1000, 128>}, {transform_indices = @transform_2, window_bounds = array<i64: 1000, 8>}, {pipeline_mode = #tpu.pipeline_mode<synchronous>, transform_indices = @transform_3, window_bounds = array<i64: 128, 128>}, {pipeline_mode = #tpu.pipeline_mode<synchronous>, transform_indices = @transform_4, window_bounds = array<i64: 1, 128>}, {transform_indices = @transform_5, window_bounds = array<i64: 1000, 128>}]} {
    %get3A = arith.constant 0 : index
    %get3A_0 = arith.constant 0 : index
    %get3A_1 = vector.load %arg3[%get3A, %get3A_0] : memref<1000x8xf32, #tpu.memory_space<vmem>>, vector<1000x1xf32>
    %get3A_2 = arith.constant 0 : index
    %get3A_3 = arith.constant 0 : index
    %get3A_4 = vector.load %arg1[%get3A_2, %get3A_3] : memref<1000x128xf32, #tpu.memory_space<vmem>>, vector<1000x128xf32>
    %get3A_5 = arith.constant 0 : index
    %get3A_6 = arith.constant 0 : index
    %get3A_7 = vector.load %arg2[%get3A_5, %get3A_6] : memref<1000x128xf32, #tpu.memory_space<vmem>>, vector<1000x128xf32>
    %add3A = arith.addf %get3A_4, %get3A_7 : vector<1000x128xf32>
    %mul3A = vector.broadcast %get3A_1 : vector<1000x1xf32> to vector<1000x128xf32>
    %mul3A_8 = arith.mulf %add3A, %mul3A : vector<1000x128xf32>
    %get3A_9 = arith.constant 0 : index
    %get3A_10 = arith.constant 0 : index
    %get3A_11 = vector.load %arg5[%get3A_9, %get3A_10] : memref<1x128xf32, #tpu.memory_space<vmem>>, vector<1x128xf32>
    %add3A_12 = vector.broadcast %get3A_11 : vector<1x128xf32> to vector<1000x128xf32>
    %add3A_13 = arith.addf %mul3A_8, %add3A_12 : vector<1000x128xf32>
    %max3A = arith.constant 0.000000e+00 : f32
    %max3A_14 = vector.broadcast %max3A : f32 to vector<1000x128xf32>
    %max3A_15 = arith.maximumf %add3A_13, %max3A_14 : vector<1000x128xf32>
    %get3A_16 = arith.constant 0 : index
    %get3A_17 = arith.constant 0 : index
    %get3A_18 = vector.load %arg4[%get3A_16, %get3A_17] : memref<128x128xf32, #tpu.memory_space<vmem>>, vector<128x128xf32>
    %dot_general3A = arith.constant dense<0.000000e+00> : vector<1000x128xf32>
    %dot_general3A_19 = tpu.matmul %max3A_15, %get3A_18, %dot_general3A {dimension_numbers = #tpu.dot_dimension_numbers<[1], [0], [0], [1], [0, 0, 1, 1], [], []>, transpose_lhs_hint = false} : vector<1000x128xf32>, vector<128x128xf32>, vector<1000x128xf32> -> vector<1000x128xf32>
    %mul3A_20 = vector.broadcast %get3A_1 : vector<1000x1xf32> to vector<1000x128xf32>
    %mul3A_21 = arith.mulf %dot_general3A_19, %mul3A_20 : vector<1000x128xf32>
    %swap3A = arith.constant 0 : index
    %swap3A_22 = arith.constant 0 : index
    %swap3A_23 = vector.load %arg6[%swap3A, %swap3A_22] : memref<1000x128xf32, #tpu.memory_space<vmem>>, vector<1000x128xf32>
    tpu.vector_store %arg6[%swap3A, %swap3A_22], %mul3A_21 {strides = array<i32>} : memref<1000x128xf32, #tpu.memory_space<vmem>>, vector<1000x128xf32>,
    return
  }
  func.func @transform_0(%arg0: i32) -> (i32, i32) {
    %c0_i32 = arith.constant 0 : i32
    %c0_i32_0 = arith.constant 0 : i32
    return %arg0, %c0_i32 : i32, i32
  }
  func.func @transform_1(%arg0: i32) -> (i32, i32) {
    %c0_i32 = arith.constant 0 : i32
    %c0_i32_0 = arith.constant 0 : i32
    return %arg0, %c0_i32 : i32, i32
  }
  func.func @transform_2(%arg0: i32) -> (i32, i32) {
    %c0_i32 = arith.constant 0 : i32
    %c0_i32_0 = arith.constant 0 : i32
    return %arg0, %c0_i32 : i32, i32
  }
  func.func @transform_3(%arg0: i32) -> (i32, i32) {
    %c0_i32 = arith.constant 0 : i32
    %c0_i32_0 = arith.constant 0 : i32
    %c0_i32_1 = arith.constant 0 : i32
    return %c0_i32, %c0_i32_0 : i32, i32
  }
  func.func @transform_4(%arg0: i32) -> (i32, i32) {
    %c0_i32 = arith.constant 0 : i32
    %c0_i32_0 = arith.constant 0 : i32
    %c0_i32_1 = arith.constant 0 : i32
    return %c0_i32, %c0_i32_0 : i32, i32
  }
  func.func @transform_5(%arg0: i32) -> (i32, i32) {
    %c0_i32 = arith.constant 0 : i32
    %c0_i32_0 = arith.constant 0 : i32
    return %arg0, %c0_i32 : i32, i32
  }
}

module attributes {stable_mosaic.version = 14 : i64} {
  func.func @_tc_c_body(%arg0: i32, %arg1: memref<1000x128xf32, #tpu.memory_space<vmem>>, %arg2: memref<1000x128xf32, #tpu.memory_space<vmem>>, %arg3: memref<1000x8xf32, #tpu.memory_space<vmem>>, %arg4: memref<1x128xf32, #tpu.memory_space<vmem>>, %arg5: memref<1000x1xi32, #tpu.memory_space<vmem>>, %arg6: memref<128x1xf32, #tpu.memory_space<vmem>>, %arg7: memref<1x1xf32, #tpu.memory_space<vmem>>, %arg8: memref<64x1xf32, #tpu.memory_space<vmem>>, %arg9: memref<64x128xf32, #tpu.memory_space<vmem>>, %arg10: memref<64x1xf32, #tpu.memory_space<vmem>>) attributes {dimension_semantics = [#tpu.dimension_semantics<arbitrary>], iteration_bounds = array<i64: 10>, scalar_prefetch = 0 : i64, scratch_operands = 2 : i64, tpu.core_type = #tpu.core_type<tc>, window_params = [{transform_indices = @transform_0, window_bounds = array<i64: 1000, 128>}, {transform_indices = @transform_1, window_bounds = array<i64: 1000, 128>}, {transform_indices = @transform_2, window_bounds = array<i64: 1000, 8>}, {pipeline_mode = #tpu.pipeline_mode<synchronous>, transform_indices = @transform_3, window_bounds = array<i64: 1, 128>}, {transform_indices = @transform_4, window_bounds = array<i64: 1000, 1>}, {pipeline_mode = #tpu.pipeline_mode<synchronous>, transform_indices = @transform_5, window_bounds = array<i64: 128, 1>}, {pipeline_mode = #tpu.pipeline_mode<synchronous>, transform_indices = @transform_6, window_bounds = array<i64: 1, 1>}, {pipeline_mode = #tpu.pipeline_mode<synchronous>, transform_indices = @transform_7, window_bounds = array<i64: 64, 1>}]} {
    %eq3A = arith.constant 0 : i32
    %eq3A_0 = arith.cmpi eq, %arg0, %eq3A : i32
    %convert_element_type3A = arith.extui %eq3A_0 : i1 to i32
    %cond3A = arith.constant 0 : i32
    %cond3A_1 = arith.cmpi ne, %convert_element_type3A, %cond3A : i32
    scf.if %cond3A_1 {
      %broadcast_in_dim3A_45 = arith.constant 0.000000e+00 : f32
      %broadcast_in_dim3A_46 = vector.broadcast %broadcast_in_dim3A_45 : f32 to vector<64x128xf32>
      %swap3A_47 = arith.constant 0 : index
      %swap3A_48 = arith.constant 0 : index
      %swap3A_49 = vector.load %arg9[%swap3A_47, %swap3A_48] : memref<64x128xf32, #tpu.memory_space<vmem>>, vector<64x128xf32>
      tpu.vector_store %arg9[%swap3A_47, %swap3A_48], %broadcast_in_dim3A_46 {strides = array<i32>} : memref<64x128xf32, #tpu.memory_space<vmem>>, vector<64x128xf32>,
      %broadcast_in_dim3A_50 = arith.constant 0.000000e+00 : f32
      %broadcast_in_dim3A_51 = vector.broadcast %broadcast_in_dim3A_50 : f32 to vector<64x1xf32>
      %swap3A_52 = arith.constant 0 : index
      %swap3A_53 = arith.constant 0 : index
      %swap3A_54 = vector.load %arg10[%swap3A_52, %swap3A_53] : memref<64x1xf32, #tpu.memory_space<vmem>>, vector<64x1xf32>
      tpu.vector_store %arg10[%swap3A_52, %swap3A_53], %broadcast_in_dim3A_51 {strides = array<i32>} : memref<64x1xf32, #tpu.memory_space<vmem>>, vector<64x1xf32>,
    } else {
    }
    %get3A = arith.constant 0 : index
    %get3A_2 = arith.constant 0 : index
    %get3A_3 = vector.load %arg3[%get3A, %get3A_2] : memref<1000x8xf32, #tpu.memory_space<vmem>>, vector<1000x1xf32>
    %get3A_4 = arith.constant 0 : index
    %get3A_5 = arith.constant 0 : index
    %get3A_6 = vector.load %arg1[%get3A_4, %get3A_5] : memref<1000x128xf32, #tpu.memory_space<vmem>>, vector<1000x128xf32>
    %get3A_7 = arith.constant 0 : index
    %get3A_8 = arith.constant 0 : index
    %get3A_9 = vector.load %arg2[%get3A_7, %get3A_8] : memref<1000x128xf32, #tpu.memory_space<vmem>>, vector<1000x128xf32>
    %add3A = arith.addf %get3A_6, %get3A_9 : vector<1000x128xf32>
    %mul3A = vector.broadcast %get3A_3 : vector<1000x1xf32> to vector<1000x128xf32>
    %mul3A_10 = arith.mulf %add3A, %mul3A : vector<1000x128xf32>
    %get3A_11 = arith.constant 0 : index
    %get3A_12 = arith.constant 0 : index
    %get3A_13 = vector.load %arg4[%get3A_11, %get3A_12] : memref<1x128xf32, #tpu.memory_space<vmem>>, vector<1x128xf32>
    %add3A_14 = vector.broadcast %get3A_13 : vector<1x128xf32> to vector<1000x128xf32>
    %add3A_15 = arith.addf %mul3A_10, %add3A_14 : vector<1000x128xf32>
    %max3A = arith.constant 0.000000e+00 : f32
    %max3A_16 = vector.broadcast %max3A : f32 to vector<1000x128xf32>
    %max3A_17 = arith.maximumf %add3A_15, %max3A_16 : vector<1000x128xf32>
    %iota3A = tpu.iota {dimensions = array<i32: 1>} : vector<1000x64xi32>
    %get3A_18 = arith.constant 0 : index
    %get3A_19 = arith.constant 0 : index
    %get3A_20 = vector.load %arg5[%get3A_18, %get3A_19] : memref<1000x1xi32, #tpu.memory_space<vmem>>, vector<1000x1xi32>
    %eq3A_21 = vector.broadcast %get3A_20 : vector<1000x1xi32> to vector<1000x64xi32>
    %eq3A_22 = arith.cmpi eq, %eq3A_21, %iota3A : vector<1000x64xi32>
    %convert_element_type3A_23 = arith.extui %eq3A_22 : vector<1000x64xi1> to vector<1000x64xi32>
    %convert_element_type3A_24 = arith.sitofp %convert_element_type3A_23 : vector<1000x64xi32> to vector<1000x64xf32>
    %get3A_25 = arith.constant 0 : index
    %get3A_26 = arith.constant 0 : index
    %get3A_27 = vector.load %arg9[%get3A_25, %get3A_26] : memref<64x128xf32, #tpu.memory_space<vmem>>, vector<64x128xf32>
    %dot_general3A = arith.constant dense<0.000000e+00> : vector<64x128xf32>
    %dot_general3A_28 = tpu.matmul %convert_element_type3A_24, %max3A_17, %dot_general3A {dimension_numbers = #tpu.dot_dimension_numbers<[0], [0], [1], [1], [0, 1, 1, 1], [], []>, transpose_lhs_hint = false} : vector<1000x64xf32>, vector<1000x128xf32>, vector<64x128xf32> -> vector<64x128xf32>
    %add3A_29 = arith.addf %get3A_27, %dot_general3A_28 : vector<64x128xf32>
    %swap3A = arith.constant 0 : index
    %swap3A_30 = arith.constant 0 : index
    %swap3A_31 = vector.load %arg9[%swap3A, %swap3A_30] : memref<64x128xf32, #tpu.memory_space<vmem>>, vector<64x128xf32>
    tpu.vector_store %arg9[%swap3A, %swap3A_30], %add3A_29 {strides = array<i32>} : memref<64x128xf32, #tpu.memory_space<vmem>>, vector<64x128xf32>,
    %get3A_32 = arith.constant 0 : index
    %get3A_33 = arith.constant 0 : index
    %get3A_34 = vector.load %arg10[%get3A_32, %get3A_33] : memref<64x1xf32, #tpu.memory_space<vmem>>, vector<64x1xf32>
    %reduce_sum3A = arith.constant dense<0.000000e+00> : vector<64xf32>
    %reduce_sum3A_35 = vector.multi_reduction <add>, %convert_element_type3A_24, %reduce_sum3A [0] : vector<1000x64xf32> to vector<64xf32>
    %broadcast_in_dim3A = vector.shape_cast %reduce_sum3A_35 : vector<64xf32> to vector<64x1xf32>
    %add3A_36 = arith.addf %get3A_34, %broadcast_in_dim3A : vector<64x1xf32>
    %swap3A_37 = arith.constant 0 : index
    %swap3A_38 = arith.constant 0 : index
    %swap3A_39 = vector.load %arg10[%swap3A_37, %swap3A_38] : memref<64x1xf32, #tpu.memory_space<vmem>>, vector<64x1xf32>
    tpu.vector_store %arg10[%swap3A_37, %swap3A_38], %add3A_36 {strides = array<i32>} : memref<64x1xf32, #tpu.memory_space<vmem>>, vector<64x1xf32>,
    %eq3A_40 = arith.constant 9 : i32
    %eq3A_41 = arith.cmpi eq, %arg0, %eq3A_40 : i32
    %convert_element_type3A_42 = arith.extui %eq3A_41 : i1 to i32
    %cond3A_43 = arith.constant 0 : i32
    %cond3A_44 = arith.cmpi ne, %convert_element_type3A_42, %cond3A_43 : i32
    scf.if %cond3A_44 {
      %get3A_45 = arith.constant 0 : index
      %get3A_46 = arith.constant 0 : index
      %get3A_47 = vector.load %arg9[%get3A_45, %get3A_46] : memref<64x128xf32, #tpu.memory_space<vmem>>, vector<64x128xf32>
      %get3A_48 = arith.constant 0 : index
      %get3A_49 = arith.constant 0 : index
      %get3A_50 = vector.load %arg10[%get3A_48, %get3A_49] : memref<64x1xf32, #tpu.memory_space<vmem>>, vector<64x1xf32>
      %max3A_51 = arith.constant 1.000000e+00 : f32
      %max3A_52 = vector.broadcast %max3A_51 : f32 to vector<64x1xf32>
      %max3A_53 = arith.maximumf %get3A_50, %max3A_52 : vector<64x1xf32>
      %div3A = vector.broadcast %max3A_53 : vector<64x1xf32> to vector<64x128xf32>
      %div3A_54 = arith.divf %get3A_47, %div3A : vector<64x128xf32>
      %get3A_55 = arith.constant 0 : index
      %get3A_56 = arith.constant 0 : index
      %get3A_57 = vector.load %arg6[%get3A_55, %get3A_56] : memref<128x1xf32, #tpu.memory_space<vmem>>, vector<128x1xf32>
      %dot_general3A_58 = arith.constant dense<0.000000e+00> : vector<64x1xf32>
      %dot_general3A_59 = tpu.matmul %div3A_54, %get3A_57, %dot_general3A_58 {dimension_numbers = #tpu.dot_dimension_numbers<[1], [0], [0], [1], [0, 0, 1, 1], [], []>, transpose_lhs_hint = false} : vector<64x128xf32>, vector<128x1xf32>, vector<64x1xf32> -> vector<64x1xf32>
      %get3A_60 = arith.constant 0 : index
      %get3A_61 = arith.constant 0 : index
      %get3A_62 = vector.load %arg7[%get3A_60, %get3A_61] : memref<1x1xf32, #tpu.memory_space<vmem>>, vector<1x1xf32>
      %add3A_63 = vector.broadcast %get3A_62 : vector<1x1xf32> to vector<64x1xf32>
      %add3A_64 = arith.addf %dot_general3A_59, %add3A_63 : vector<64x1xf32>
      %swap3A_65 = arith.constant 0 : index
      %swap3A_66 = arith.constant 0 : index
      %swap3A_67 = vector.load %arg8[%swap3A_65, %swap3A_66] : memref<64x1xf32, #tpu.memory_space<vmem>>, vector<64x1xf32>
      tpu.vector_store %arg8[%swap3A_65, %swap3A_66], %add3A_64 {strides = array<i32>} : memref<64x1xf32, #tpu.memory_space<vmem>>, vector<64x1xf32>,
    } else {
    }
    return
  }
  func.func @transform_0(%arg0: i32) -> (i32, i32) {
    %c0_i32 = arith.constant 0 : i32
    %c0_i32_0 = arith.constant 0 : i32
    return %arg0, %c0_i32 : i32, i32
  }
  func.func @transform_1(%arg0: i32) -> (i32, i32) {
    %c0_i32 = arith.constant 0 : i32
    %c0_i32_0 = arith.constant 0 : i32
    return %arg0, %c0_i32 : i32, i32
  }
  func.func @transform_2(%arg0: i32) -> (i32, i32) {
    %c0_i32 = arith.constant 0 : i32
    %c0_i32_0 = arith.constant 0 : i32
    return %arg0, %c0_i32 : i32, i32
  }
  func.func @transform_3(%arg0: i32) -> (i32, i32) {
    %c0_i32 = arith.constant 0 : i32
    %c0_i32_0 = arith.constant 0 : i32
    %c0_i32_1 = arith.constant 0 : i32
    return %c0_i32, %c0_i32_0 : i32, i32
  }
  func.func @transform_4(%arg0: i32) -> (i32, i32) {
    %c0_i32 = arith.constant 0 : i32
    %c0_i32_0 = arith.constant 0 : i32
    return %arg0, %c0_i32 : i32, i32
  }
  func.func @transform_5(%arg0: i32) -> (i32, i32) {
    %c0_i32 = arith.constant 0 : i32
    %c0_i32_0 = arith.constant 0 : i32
    %c0_i32_1 = arith.constant 0 : i32
    return %c0_i32, %c0_i32_0 : i32, i32
  }
  func.func @transform_6(%arg0: i32) -> (i32, i32) {
    %c0_i32 = arith.constant 0 : i32
    %c0_i32_0 = arith.constant 0 : i32
    %c0_i32_1 = arith.constant 0 : i32
    return %c0_i32, %c0_i32_0 : i32, i32
  }
  func.func @transform_7(%arg0: i32) -> (i32, i32) {
    %c0_i32 = arith.constant 0 : i32
    %c0_i32_0 = arith.constant 0 : i32
    %c0_i32_1 = arith.constant 0 : i32
    return %c0_i32, %c0_i32_0 : i32, i32
  }
}

</mosaic_0001>

<sc_bundles>
// kernel: kernel.11.cloned.1.call-start
scs
__scs_entry_jumppad:
0x0: {  	(pc) =	sbr.rel $0x88, $3  }
0x1: {  	(tag) =	ssettag $0x0;
	lr =	simm.s32 $0x1  }
0x2: {  	[smem:$0x3F98] =	sst lr;
	_ =	strace $0xD0000000  }
0x3: {  	_ = 	snop  }
0x4: {  	_ = 	snop  }
0x5: {  	_ = 	snop  }
0x6: {  	_ = 	snop  }
0x7: {  	_ = 	snop  }
__scs_overlays_trampoline_lowered:
0x8: {  	[smem:$0x3FA7] =	sst s0  }
0x9: {  	[smem:$0x3FA8] =	sst s1  }
0xa: {  	[smem:$0x3FA9] =	sst s2  }
0xb: {  	[smem:$0x3FAA] =	sst s3  }
0xc: {  	[smem:$0x3FAB] =	sst s4  }
0xd: {  	[smem:$0x3FAC] =	sst s5  }
0xe: {  	[smem:$0x3FAD] =	sst s6  }
0xf: {  	[smem:$0x3FAE] =	sst s7  }
0x10: {  	[smem:$0x3FAF] =	sst s8  }
0x11: {  	[smem:$0x3FB0] =	sst s9;
	s0 =	simm.s32 @!p0 $0x0  }
0x12: {  	s1 =	sld [smem:$0x3F96];
	s0 =	simm.s32 @p0 $0x1  }
0x13: {  	[smem:$0x3FB1] =	sst s0;
	s0 =	simm.s32 @!p1 $0x0  }
0x14: {  	s2 =	sld [smem:$0x3F95];
	s0 =	simm.s32 @p1 $0x1  }
0x15: {  	[smem:$0x3FB2] =	sst s0;
	s0 =	simm.s32 @!p2 $0x0  }
0x16: {  	s3 =	sld [smem:$0x3FDB];
	s0 =	simm.s32 @p2 $0x1  }
0x17: {  	s4 =	simm.s32 $0x1BF5;
	[smem:$0x3FB4] =	sst s0  }
0x18: {  	s0 =	sld [smem:$0x3F97];
	_ =	swait.ge [sflag:s4], $0x0  }
0x19: {  	s7 =	sld [smem:$0x3F98]  }
0x1a: {  	s8 =	sadd.s32 $0xFFFFE003, lr  }
0x1b: {  	s9 =	sadd.s32 $0xFFFFFEF7, lr;
	s5 =	simm.s32 $0xFFFFFFFF;
	p2 =	slt.u32 s8, $0xFFFFF086  }
0x1c: {  	p1 =	slt.u32 s9, $0xF7A;
	s5 =	simm.s32 @!p2 $0x0  }
0x1d: {  	s5 =	simm.s32 @p1 $0x1;
	p0 =	seq.s32 s7, s2  }
0x1e: {  	s7 =	smul.u32 @!p0 $0xF7A, s2;
	p2 =	seq.s32 @!p0 s5, $0x0  }
0x1f: {  	s9 =	smul.u32 $0xF7A, s1;
	s8 =	simm.s32 @!p0 $0x1BF5;
	p2 =	por !p2, p0  }
0x20: {  	[sflag:s8] =	ssyncset.s32 @!p0 $0xFFFFF086;
	s6 =	sadd.s32 @!p0 s3, s7;
	s7 =	simm.s32 @!p0 $0x108  }
0x21: {  	s3 =	sadd.s32 s3, s9;
	s6 =	sadd.s32 @!p0 $0x88, s6;
	s7 =	simm.s32 @p2 $0x1082  }
0x22: {  	[simem:s7], [sflag:s8] =	dma.local @!p0 [hbm:s6], $0xF7A  }
0x23: {  	s9 =	sor.u32 $0xD0000000, s2;
	s6 =	simm.s32 $0x108;
	_ =	swait.ge @!p0 [sflag:s8], $0x0  }
0x24: {  	s3 =	sadd.s32 $0x88, s3;
	s6 =	simm.s32 @!p1 $0x1082;
	[sflag:s4] =	ssyncset.s32 $0xFFFFF086  }
0x25: {  	[simem:s6], [sflag:s4] =	dma.local [hbm:s3], $0xF7A  }
0x26: {  	[smem:$0x3F98] =	sst s1;
	(tag) =	ssettag s2;
	_ =	strace s9  }
0x27: {  	s1 =	sld [smem:$0x3FA8]  }
0x28: {  	s2 =	sld [smem:$0x3FA9]  }
0x29: {  	s4 =	sld [smem:$0x3FAB]  }
0x2a: {  	p0 =	seq.s32 s5, $0x0;
	s5 =	sld [smem:$0x3FAC]  }
0x2b: {  	s6 =	sld [smem:$0x3FAD]  }
0x2c: {  	s7 =	sld [smem:$0x3FAE]  }
0x2d: {  	s3 =	simm.s32 $0x108;
	s8 =	sld [smem:$0x3FAF]  }
0x2e: {  	s3 =	simm.s32 @!p0 $0x1082;
	s9 =	sld [smem:$0x3FB0]  }
0x2f: {  	lr =	sadd.s32 s0, s3;
	s0 =	sld [smem:$0x3FA7]  }
0x30: {  	s3 =	sld [smem:$0x3FAA]  }
0x31: {  	[smem:$0x3FB3] =	sst s10  }
0x32: {  	s10 =	sld [smem:$0x3FB1];
	_ =	sdelay $0x3  }
0x33: {  	p0 =	seq.s32 s10, $0x1;
	s10 =	sld [smem:$0x3FB3];
	_ =	sdelay $0x3  }
0x34: {  	[smem:$0x3FB3] =	sst s10  }
0x35: {  	s10 =	sld [smem:$0x3FB2];
	_ =	sdelay $0x3  }
0x36: {  	p1 =	seq.s32 s10, $0x1;
	s10 =	sld [smem:$0x3FB3];
	_ =	sdelay $0x3  }
0x37: {  	[smem:$0x3FB3] =	sst s10  }
0x38: {  	s10 =	sld [smem:$0x3FB4]  }
0x39: {  	_ = 	snop;
	(pc) =	sbr.ind lr, $3  }
0x3a: {  	_ = 	snop  }
0x3b: {  	_ = 	snop  }
0x3c: {  	p2 =	seq.s32 s10, $0x1;
	s10 =	sld [smem:$0x3FB3]  }
0x3d: {  	_ =	shalt  }
0x3e: {  	_ =	shalt  }
0x3f: {  	_ =	shalt  }
0x40: {  	_ =	shalt  }
0x41: {  	_ =	shalt  }
0x42: {  	_ =	shalt  }
0x43: {  	_ =	shalt  }
0x44: {  	_ =	shalt  }
0x45: {  	_ =	shalt  }
0x46: {  	_ =	shalt  }
0x47: {  	_ =	shalt  }
0x48: {  	_ =	shalt  }
0x49: {  	_ =	shalt  }
0x4a: {  	_ =	shalt  }
0x4b: {  	_ =	shalt  }
0x4c: {  	_ =	shalt  }
0x4d: {  	_ =	shalt  }
0x4e: {  	_ =	shalt  }
0x4f: {  	_ =	shalt  }
0x50: {  	_ =	shalt  }
0x51: {  	_ =	shalt  }
0x52: {  	_ =	shalt  }
0x53: {  	_ =	shalt  }
0x54: {  	_ =	shalt  }
0x55: {  	_ =	shalt  }
0x56: {  	_ =	shalt  }
0x57: {  	_ =	shalt  }
0x58: {  	_ =	shalt  }
0x59: {  	_ =	shalt  }
0x5a: {  	_ =	shalt  }
0x5b: {  	_ =	shalt  }
0x5c: {  	_ =	shalt  }
0x5d: {  	_ =	shalt  }
0x5e: {  	_ =	shalt  }
0x5f: {  	_ =	shalt  }
0x60: {  	_ =	shalt  }
0x61: {  	_ =	shalt  }
0x62: {  	_ =	shalt  }
0x63: {  	_ =	shalt  }
0x64: {  	_ =	shalt  }
0x65: {  	_ =	shalt  }
0x66: {  	_ =	shalt  }
0x67: {  	_ =	shalt  }
0x68: {  	_ =	shalt  }
0x69: {  	_ =	shalt  }
0x6a: {  	_ =	shalt  }
0x6b: {  	_ =	shalt  }
0x6c: {  	_ =	shalt  }
0x6d: {  	_ =	shalt  }
0x6e: {  	_ =	shalt  }
0x6f: {  	_ =	shalt  }
0x70: {  	_ =	shalt  }
0x71: {  	_ =	shalt  }
0x72: {  	_ =	shalt  }
0x73: {  	_ =	shalt  }
0x74: {  	_ =	shalt  }
0x75: {  	_ =	shalt  }
0x76: {  	_ =	shalt  }
0x77: {  	_ =	shalt  }
0x78: {  	_ =	shalt  }
0x79: {  	_ =	shalt  }
0x7a: {  	_ =	shalt  }
0x7b: {  	_ =	shalt  }
0x7c: {  	_ =	shalt  }
0x7d: {  	_ =	shalt  }
0x7e: {  	_ =	shalt  }
0x7f: {  	_ =	shalt  }
0x80: {  	_ =	shalt  }
0x81: {  	_ =	shalt  }
0x82: {  	_ =	shalt  }
0x83: {  	_ =	shalt  }
0x84: {  	_ =	shalt  }
0x85: {  	_ =	shalt  }
0x86: {  	_ =	shalt  }
0x87: {  	_ =	shalt  }
.Lfunc_end0:
.L_simem_size_0:
called_computation.1_lowered:
.L_overlay_start_0:
0x88: {  	s2 =	sld [smem:$0x3FD9]  }
0x89: {  	s3 =	sld [smem:$0x3FFE];
	_ =	sdelay $0x1  }
0x8a: {  	s1 =	srdreg.scid  }
0x8b: {  	s0 =	sand.u32 $0x1, s1  }
0x8c: {  	s16 =	sshll.u32 s0, $0xA;
	s2 =	sadd.s32 s3, s2  }
0x8d: {  	s2 =	sadd.s32 s2, s16  }
0x8e: {  	[smem:$0x3FBF] =	sst s2  }
0x8f: {  	_ = 	snop  }
0x90: {  	(tm) =	ssettm $0x1  }
0x91: {  	s17 =	sld [smem:$0x3FFB];
	_ =	sdelay $0x3  }
0x92: {  	_ =	strace s17  }
0x93: {  	s2 =	sld [smem:$0x3FFC];
	_ =	sdelay $0x3  }
0x94: {  	_ =	strace s2  }
0x95: {  	s2 =	sld [smem:$0x3FFD];
	_ =	sdelay $0x3  }
0x96: {  	_ =	strace s2  }
0x97: {  	_ =	strace $0x8FFFFFFF  }
0x98: {  	s18 =	sld [smem:$0x3FDB];
	_ =	sdelay $0x1  }
0x99: {  	s19 =	simm.s32 $_scs_section_size  }
0x9a: {  	s4 =	simm.s32 $_size__tile_overlayer_lowered;
	s5 =	simm.s32 $_tile_overlayer_lowered  }
0x9b: {  	s22 =	simm.s32 $0x1BFF;
	s21 =	sshll.u32 s5, $0x1;
	s2 =	sadd.s32 s19, s18  }
0x9c: {  	s6 =	simm.s32 $0x0;
	s20 =	sshll.u32 s4, $0x1;
	s4 =	sadd.s32 s21, s2  }
0x9d: {  	[timem:s6], [sflag:s22] =	dma.local [hbm:s4], s20  }
0x9e: {  	_ =	swait.ge [sflag:s22], s20  }
0x9f: {  	s3 =	ssub.s32 $0x0, s20;
	[sflag:s22] =	ssyncset.done $0x0  }
0xa0: {  	[sflag:s22] =	ssyncadd.s32 s3;
	_ =	sdelay $0x1  }
0xa1: {  	s23 =	simm.s32 $0x1B8B  }
0xa2: {  	_ =	swait.ge [sflag:s23], $0x1  }
0xa3: {  	[sflag:s23] =	ssyncset.done $0x0  }
0xa4: {  	s25 =	simm.s32 $0x1B8E;
	s24 =	sld [smem:$0x3FFE];
	[sflag:s23] =	ssyncadd.s32 $0xFFFFFFFF  }
0xa5: {  	s26 =	simm.s32 $execute0_lowered;
	[smem:$0x3FD2] =	sst s25  }
0xa6: {  	s4 =	sshll.u32 s26, $0x1;
	_ =	strace $0x80000049;
	[dreg:$0x1] =	wrdreg $0xFFFFFFFF  }
0xa7: {  	s28 =	simm.s32 $_size_execute0_lowered;
	s2 =	sadd.s32 s2, s4;
	[dreg:$0x0] =	wrdreg $0x0  }
0xa8: {  	s4 =	sshll.u32 s28, $0x1;
	[dreg:$0x2] =	wrdreg s2  }
0xa9: {  	[dreg:$0x3] =	wrdreg s4  }
0xaa: {  	[dreg:$0x4] =	wrdreg $0xC0  }
0xab: {  	_ =	task [dreg:s6], $0x5FFFF  }
0xac: {  	[dreg:$0x1] =	wrdreg $0xFFFFFFFF  }
0xad: {  	[dreg:$0x0] =	wrdreg $0x60  }
0xae: {  	[dreg:$0x2] =	wrdreg s24  }
0xaf: {  	[dreg:$0x3] =	wrdreg $0xA8000  }
0xb0: {  	[dreg:$0x4] =	wrdreg $0x9  }
0xb1: {  	_ =	task.clear_ibuf [dreg:s6], $0x5FFFF;
	_ =	strace $0x90000049  }
0xb2: {  	s29 =	simm.s32 $0x9;
	_ =	strace $0x8000004B  }
0xb3: {  	_ =	swait.ge [sflag:s29], $0x1  }
0xb4: {  	[sflag:s29] =	ssyncadd.s32 $0xFFFFFFFF  }
0xb5: {  	_ =	strace $0x9000004B  }
0xb6: {  	_ =	sfence  }
0xb7: {  	s30 =	sld [smem:$0x0];
	_ =	sdelay $0x2  }
0xb8: {  	s31 =	sshll.u32 s1, $0xD;
	s1 =	sshrl.u32 s1, $0x2  }
0xb9: {  	s3 =	sand.u32 $0x4000, s31;
	s1 =	sadd.s32 s1, s30  }
0xba: {  	s0 =	sor.u32 s3, s0;
	s1 =	sshll.u32 s1, $0x11  }
0xbb: {  	s0 =	sor.u32 s1, s0  }
0xbc: {  	s0 =	sadd.s32 $0x8F2B, s0  }
0xbd: {  	[sflag:s0] =	ssyncadd.remote.s32 $0x1  }
0xbe: {  	_ =	sfence.sel $0xFFFF  }
0xbf: {  	[dreg:$0x0] =	wrdreg $0xFFFFFFFF;
	(pc) =	sbr.abs _section_cstart, $3  }
0xc0: {  	[dreg:$0x1] =	wrdreg $0xFFFFFFFF  }
0xc1: {  	_ =	task.clear_ibuf [dreg:s6], $0x2FFFF;
	_ =	strace $0x9FFFFFFF  }
0xc2: {  	(tm) =	ssettm $0x7FFFFFFF  }
0xc3: {  	_ =	shalt  }
tec
execute0_lowered:
.L_overlay_start_1:
0x0: {  	(tag) =	ssettag $0x1  }
0x1: {  	s0 =	rddreg [dreg:$0x0]  }
0x2: {  	s1 =	rddreg [dreg:$0x1];
	s2 =	simm.s32 $0x0;
	s3 =	srdreg.scid  }
0x3: {  	s19 =	simm.s32 $0x3;
	s21 =	simm.s32 $0x1400;
	s22 =	simm.s32 $0x7D  }
0x4: {  	s23 =	simm.s32 $0x2800;
	s28 =	simm.s32 $0x1380;
	s29 =	simm.s32 $0x2700  }
0x5: {  	s30 =	simm.s32 $0x2780;
	[smem:$0x7FF] =	sst s2;
	s7 =	sand.u32 $0x1, s3  }
0x6: {  	s3 =	sadd.s32 $0x33600, s0;
	s12 =	sadd.s32 $0x82000, s0;
	s13 =	sadd.s32 $0x2400, s0  }
0x7: {  	s5 =	sadd.s32 $0xC400, s0;
	_ =	strace $0x8000004A;
	s4 =	smul.u32 $0x27100, s7  }
0x8: {  	s8 =	ssub.s32 $0x2, s7;
	s6 =	sshll.u32 s7, $0x4;
	p0 =	seq.s32 s7, $0x1  }
0x9: {  	s10 =	sshrl.u32 s8, $0x1;
	s0 =	sadd.s32 s4, s0;
	s4 =	stileid.u32  }
0xa: {  	s15 =	ssub.s32 s8, s10;
	s8 =	sadd.s32 $0x138000, s1;
	s9 =	smul.u32 $0x4E000, s4  }
0xb: {  	s11 =	sor.u32 s4, s6;
	s6 =	smul.u32 $0x2700, s4;
	s15 =	smax.u32 s15, $0x1  }
0xc: {  	s16 =	sshll.u32 s4, $0x6;
	p1 =	sne.s32 s4, $0xF;
	s25 =	smul.u32 $0x2800, s11  }
0xd: {  	s20 =	sshrl.u32 s8, $0x3;
	p2 =	seq.s32 s4, $0xF;
	s11 =	smul.u32 $0x500, s11  }
0xe: {  	s17 =	sor.u32 $0x1C03, s16;
	s24 =	sshrl.u32 s9, $0x2;
	s26 =	sadd.s32 s3, s6  }
0xf: {  	s31 =	sadd.s32 s5, s6;
	s18 =	sadd.s32 s24, s1;
	[dreg:$0x3] =	wrdreg s26  }
0x10: {  	s14 =	sshrl.u32 s25, $0x3;
	[dreg:$0x4] =	wrdreg s31;
	s10 =	sadd.s32 s12, s11  }
0x11: {  	s11 =	sadd.s32 s13, s11;
	s24 =	simm.s32 $0x6800;
	s25 =	simm.s32 $0x1  }
0x12: {  	s26 =	simm.s32 $0x2;
	s14 =	sadd.s32 $0x280, s14;
	s18 =	sshrl.u32 s18, $0x3  }
0x13: {  	s12 =	sadd.s32 s12, s14;
	s13 =	sadd.s32 s13, s14;
	s14 =	sadd.s32 $0x8C000, s0  }
.LBB2_1:
.Ltmp0:
0x14: {  	(pc) =	sbr.rel @!p0 .LBB2_2-.Ltmp0, $1  }
0x15: {  	_ =	sdelay $0x3  }
0x16: {  	s0 =	rddreg [dreg:$0x4]  }
0x17: {  	[spmem:s18], [sflag:s17] =	dma.local [hbm:s0], $0x2700  }
.Ltmp1:
0x18: {  	_ = 	snop;
	(pc) =	sbr.rel @p1 .LBB2_5-.Ltmp1, $4  }
.Ltmp2:
0x19: {  	_ = 	snop;
	(pc) =	sbr.rel @!p1 .LBB2_4-.Ltmp2, $4  }
0x1a: {  	_ =	swait.ge [sflag:s19], $0x2700  }
0x1b: {  	[sflag:s19] =	ssyncset.done $0x0  }
0x1c: {  	s31 =	smov.u32 s5;
	s0 =	smov.u32 s17;
	[sflag:s19] =	ssyncadd.s32 $0xFFFFD900  }
0x1d: {  	_ = 	snop  }
.LBB2_2:
.Ltmp3:
0x1e: {  	s0 =	sor.u32 $0x1C03, s16;
	s4 =	rddreg [dreg:$0x3];
	(pc) =	sbr.rel @!p2 .LBB2_5-.Ltmp3, $4  }
0x1f: {  	[spmem:s18], [sflag:s0] =	dma.local [hbm:s4], $0x2700  }
0x20: {  	_ =	swait.ge [sflag:s19], $0x2700  }
0x21: {  	[sflag:s19] =	ssyncset.done $0x0  }
0x22: {  	s31 =	smov.u32 s3;
	[sflag:s19] =	ssyncadd.s32 $0xFFFFD900  }
.LBB2_4:
0x23: {  	s31 =	sadd.s32 $0x27000, s31  }
0x24: {  	[spmem:s20], [sflag:s0] =	dma.local [hbm:s31], $0x100  }
0x25: {  	_ =	swait.ge [sflag:s19], $0x100  }
0x26: {  	[sflag:s19] =	ssyncset.done $0x0  }
0x27: {  	[sflag:s19] =	ssyncadd.s32 $0xFFFFFF00  }
.LBB2_5:
0x28: {  	[bflag:$0x0] =	sbarrier.arrive $0xFFFF;
	s0 =	simm.s32 $0x0  }
0x29: {  	[tilespmem:s0], [sflag:$0x3] =	stream.linear.gather [hbm4b:s10+s0], $0x1400, $0x38;
	[tilespmem:$0x1E080] =	vst v63  }
0x2a: {  	_ =	swait.ge [sflag:s19], $0x1400  }
0x2b: {  	[sflag:s19] =	ssyncset.done $0x0  }
0x2c: {  	[sflag:s19] =	ssyncadd.s32 $0xFFFFEC00  }
0x2d: {  	[tilespmem:s21], [sflag:$0x3] =	stream.linear.gather [hbm4b:s11+s0], $0x1400, $0x38;
	[tilespmem:$0x1E080] =	vst v63  }
0x2e: {  	_ =	swait.ge [sflag:s19], $0x1400  }
0x2f: {  	[sflag:s19] =	ssyncset.done $0x0  }
0x30: {  	[sflag:s19] =	ssyncadd.s32 $0xFFFFEC00  }
0x31: {  	[tilespmem:s23], [sflag:$0x1] =	stream.indirect.gather [hbm4b:s3+s22], $0x80, s0, s22, $0xb8;
	[tilespmem:$0x1E080] =	vst v63  }
0x32: {  	s9 =	simm.s32 $0x80  }
0x33: {  	[tilespmem:s24], [sflag:$0x2] =	stream.indirect.gather [hbm4b:s3+s22], $0x80, s9, s22, $0xb8;
	[tilespmem:$0x1E080] =	vst v63  }
0x34: {  	_ =	swait.ge [sflag:s25], $0x3E80  }
0x35: {  	[sflag:s25] =	ssyncset.done $0x0  }
0x36: {  	s4 =	simm.s32 $0x1400;
	[sflag:s25] =	ssyncadd.s32 $0xFFFFC180  }
0x37: {  	[spmem:s1] =	stream.indirect.scatter.add.f32 [tilespmem:s23], [sflag:$0x3], $0x80, s4, s22, $0xb8;
	[tilespmem:$0x1E080] =	vst v63  }
0x38: {  	_ =	swait.ge [sflag:s19], $0x3E80  }
0x39: {  	[sflag:s19] =	ssyncset.done $0x0  }
0x3a: {  	s7 =	simm.s32 $0x100;
	[sflag:s19] =	ssyncadd.s32 $0xFFFFC180  }
0x3b: {  	[tilespmem:s23], [sflag:$0x1] =	stream.indirect.gather [hbm4b:s3+s22], $0x80, s7, s22, $0xb8;
	[tilespmem:$0x1E080] =	vst v63  }
0x3c: {  	_ =	swait.ge [sflag:s26], $0x3E80  }
0x3d: {  	[sflag:s26] =	ssyncset.done $0x0  }
0x3e: {  	s9 =	simm.s32 $0x1480;
	[sflag:s26] =	ssyncadd.s32 $0xFFFFC180  }
0x3f: {  	[spmem:s1] =	stream.indirect.scatter.add.f32 [tilespmem:s24], [sflag:$0x3], $0x80, s9, s22, $0xb8;
	[tilespmem:$0x1E080] =	vst v63  }
0x40: {  	_ =	swait.ge [sflag:s19], $0x3E80  }
0x41: {  	s31 =	simm.s32 $0x100;
	s0 =	simm.s32 $0x800;
	[sflag:s19] =	ssyncset.done $0x0  }
.LBB2_6:
0x42: {  	s4 =	sadd.s32 $0x80, s31  }
0x43: {  	[sflag:s19] =	ssyncadd.s32 $0xFFFFC180;
	s7 =	smov.u32 s0;
	s9 =	sadd.s32 $0x400, s0  }
0x44: {  	[tilespmem:s24], [sflag:$0x2] =	stream.indirect.gather [hbm4b:s3+s22], $0x80, s4, s22, $0xb8;
	[tilespmem:$0x1E080] =	vst v63  }
0x45: {  	p3 =	sne.s32 s0, $0x4800;
	_ =	swait.ge [sflag:s25], $0x3E80  }
0x46: {  	[sflag:s25] =	ssyncset.done $0x0  }
0x47: {  	s0 =	sadd.s32 $0x1400, s31;
	[sflag:s25] =	ssyncadd.s32 $0xFFFFC180  }
0x48: {  	[spmem:s1] =	stream.indirect.scatter.add.f32 [tilespmem:s23], [sflag:$0x3], $0x80, s0, s22, $0xb8;
	[tilespmem:$0x1E080] =	vst v63  }
0x49: {  	_ =	swait.ge [sflag:s19], $0x3E80  }
0x4a: {  	[sflag:s19] =	ssyncset.done $0x0  }
0x4b: {  	s0 =	sadd.s32 $0x100, s31;
	[sflag:s19] =	ssyncadd.s32 $0xFFFFC180  }
0x4c: {  	[tilespmem:s23], [sflag:$0x1] =	stream.indirect.gather [hbm4b:s3+s22], $0x80, s0, s22, $0xb8;
	[tilespmem:$0x1E080] =	vst v63  }
0x4d: {  	_ =	swait.ge [sflag:s26], $0x3E80  }
.Ltmp4:
0x4e: {  	[sflag:s26] =	ssyncset.done $0x0;
	(pc) =	sbr.rel @p3 .LBB2_6-.Ltmp4, $4  }
0x4f: {  	s0 =	sadd.s32 $0x1480, s31;
	[sflag:s26] =	ssyncadd.s32 $0xFFFFC180  }
0x50: {  	[spmem:s1] =	stream.indirect.scatter.add.f32 [tilespmem:s24], [sflag:$0x3], $0x80, s0, s22, $0xb8;
	[tilespmem:$0x1E080] =	vst v63  }
0x51: {  	_ =	swait.ge [sflag:s19], $0x3E80  }
0x52: {  	s31 =	sshra.s32 s7, $0x2;
	s0 =	smov.u32 s9;
	[sflag:s19] =	ssyncset.done $0x0  }
0x53: {  	s0 =	sadd.s32 $0x80, s31;
	[sflag:s19] =	ssyncadd.s32 $0xFFFFC180  }
0x54: {  	[tilespmem:s24], [sflag:$0x2] =	stream.indirect.gather [hbm4b:s3+s22], $0x80, s0, s22, $0xb8;
	[tilespmem:$0x1E080] =	vst v63  }
0x55: {  	_ =	swait.ge [sflag:s25], $0x3E80  }
0x56: {  	[sflag:s25] =	ssyncset.done $0x0  }
0x57: {  	s7 =	sadd.s32 $0x1400, s31;
	[sflag:s25] =	ssyncadd.s32 $0xFFFFC180  }
0x58: {  	[spmem:s1] =	stream.indirect.scatter.add.f32 [tilespmem:s23], [sflag:$0x3], $0x80, s7, s22, $0xb8;
	[tilespmem:$0x1E080] =	vst v63  }
0x59: {  	_ =	swait.ge [sflag:s19], $0x3E80  }
0x5a: {  	[sflag:s19] =	ssyncset.done $0x0  }
0x5b: {  	s9 =	sadd.s32 $0x100, s31;
	[sflag:s19] =	ssyncadd.s32 $0xFFFFC180  }
0x5c: {  	[tilespmem:s23], [sflag:$0x1] =	stream.indirect.gather [hbm4b:s3+s22], $0x80, s9, s22, $0xb8;
	[tilespmem:$0x1E080] =	vst v63  }
0x5d: {  	_ =	swait.ge [sflag:s26], $0x3E80  }
0x5e: {  	[sflag:s26] =	ssyncset.done $0x0  }
0x5f: {  	s4 =	sadd.s32 $0x1480, s31;
	[sflag:s26] =	ssyncadd.s32 $0xFFFFC180  }
0x60: {  	[spmem:s1] =	stream.indirect.scatter.add.f32 [tilespmem:s24], [sflag:$0x3], $0x80, s4, s22, $0xb8;
	[tilespmem:$0x1E080] =	vst v63  }
0x61: {  	_ =	swait.ge [sflag:s19], $0x3E80  }
0x62: {  	[sflag:s19] =	ssyncset.done $0x0  }
0x63: {  	[sflag:s19] =	ssyncadd.s32 $0xFFFFC180  }
0x64: {  	[tilespmem:s24], [sflag:$0x2] =	stream.indirect.gather [hbm4b:s3+s22], $0x80, s28, s22, $0xb8;
	[tilespmem:$0x1E080] =	vst v63  }
0x65: {  	_ =	swait.ge [sflag:s25], $0x3E80  }
0x66: {  	[sflag:s25] =	ssyncset.done $0x0  }
0x67: {  	[sflag:s25] =	ssyncadd.s32 $0xFFFFC180  }
0x68: {  	[spmem:s1] =	stream.indirect.scatter.add.f32 [tilespmem:s23], [sflag:$0x3], $0x80, s29, s22, $0xb8;
	[tilespmem:$0x1E080] =	vst v63  }
0x69: {  	_ =	swait.ge [sflag:s19], $0x3E80  }
0x6a: {  	[sflag:s19] =	ssyncset.done $0x0  }
0x6b: {  	[sflag:s19] =	ssyncadd.s32 $0xFFFFC180  }
0x6c: {  	[tilespmem:s23], [sflag:$0x1] =	stream.indirect.gather [hbm4b:s3+s22], $0x80, s28, s22, $0xb8;
	[tilespmem:$0x1E080] =	vst v63  }
0x6d: {  	_ =	swait.ge [sflag:s26], $0x3E80  }
0x6e: {  	[sflag:s26] =	ssyncset.done $0x0  }
0x6f: {  	[sflag:s26] =	ssyncadd.s32 $0xFFFFC180  }
0x70: {  	[spmem:s1] =	stream.indirect.scatter.add.f32 [tilespmem:s24], [sflag:$0x3], $0x80, s30, s22, $0xb8;
	[tilespmem:$0x1E080] =	vst v63  }
0x71: {  	_ =	swait.ge [sflag:s19], $0x3E80  }
0x72: {  	[sflag:s19] =	ssyncset.done $0x0  }
0x73: {  	[sflag:s19] =	ssyncadd.s32 $0xFFFFC180  }
0x74: {  	_ =	swait.ge [sflag:s25], $0x3E80  }
0x75: {  	[sflag:s25] =	ssyncset.done $0x0  }
0x76: {  	s7 =	simm.s32 $0x0;
	[sflag:s25] =	ssyncadd.s32 $0xFFFFC180  }
0x77: {  	[tilespmem:s7], [sflag:$0x3] =	stream.linear.gather [hbm4b:s12+s7], $0x1400, $0x38;
	[tilespmem:$0x1E080] =	vst v63  }
0x78: {  	_ =	swait.ge [sflag:s19], $0x1400  }
0x79: {  	[sflag:s19] =	ssyncset.done $0x0  }
0x7a: {  	[sflag:s19] =	ssyncadd.s32 $0xFFFFEC00  }
0x7b: {  	[tilespmem:s21], [sflag:$0x3] =	stream.linear.gather [hbm4b:s13+s7], $0x1400, $0x38;
	[tilespmem:$0x1E080] =	vst v63  }
0x7c: {  	_ =	swait.ge [sflag:s19], $0x1400  }
0x7d: {  	[sflag:s19] =	ssyncset.done $0x0  }
0x7e: {  	[sflag:s19] =	ssyncadd.s32 $0xFFFFEC00  }
0x7f: {  	[tilespmem:s23], [sflag:$0x1] =	stream.indirect.gather [hbm4b:s3+s22], $0x80, s7, s22, $0xb8;
	[tilespmem:$0x1E080] =	vst v63  }
0x80: {  	s9 =	simm.s32 $0x80  }
0x81: {  	[tilespmem:s24], [sflag:$0x2] =	stream.indirect.gather [hbm4b:s3+s22], $0x80, s9, s22, $0xb8;
	[tilespmem:$0x1E080] =	vst v63  }
0x82: {  	_ =	swait.ge [sflag:s25], $0x3E80  }
0x83: {  	[sflag:s25] =	ssyncset.done $0x0  }
0x84: {  	s4 =	simm.s32 $0x1400;
	[sflag:s25] =	ssyncadd.s32 $0xFFFFC180  }
0x85: {  	[spmem:s1] =	stream.indirect.scatter.add.f32 [tilespmem:s23], [sflag:$0x3], $0x80, s4, s22, $0xb8;
	[tilespmem:$0x1E080] =	vst v63  }
0x86: {  	_ =	swait.ge [sflag:s19], $0x3E80  }
0x87: {  	[sflag:s19] =	ssyncset.done $0x0  }
0x88: {  	s7 =	simm.s32 $0x100;
	[sflag:s19] =	ssyncadd.s32 $0xFFFFC180  }
0x89: {  	[tilespmem:s23], [sflag:$0x1] =	stream.indirect.gather [hbm4b:s3+s22], $0x80, s7, s22, $0xb8;
	[tilespmem:$0x1E080] =	vst v63  }
0x8a: {  	_ =	swait.ge [sflag:s26], $0x3E80  }
0x8b: {  	[sflag:s26] =	ssyncset.done $0x0  }
0x8c: {  	s9 =	simm.s32 $0x1480;
	[sflag:s26] =	ssyncadd.s32 $0xFFFFC180  }
0x8d: {  	[spmem:s1] =	stream.indirect.scatter.add.f32 [tilespmem:s24], [sflag:$0x3], $0x80, s9, s22, $0xb8;
	[tilespmem:$0x1E080] =	vst v63  }
0x8e: {  	_ =	swait.ge [sflag:s19], $0x3E80  }
0x8f: {  	s31 =	simm.s32 $0x100;
	s0 =	simm.s32 $0x800;
	[sflag:s19] =	ssyncset.done $0x0  }
.LBB2_8:
0x90: {  	s4 =	sadd.s32 $0x80, s31  }
0x91: {  	[sflag:s19] =	ssyncadd.s32 $0xFFFFC180;
	s7 =	smov.u32 s0;
	s9 =	sadd.s32 $0x400, s0  }
0x92: {  	[tilespmem:s24], [sflag:$0x2] =	stream.indirect.gather [hbm4b:s3+s22], $0x80, s4, s22, $0xb8;
	[tilespmem:$0x1E080] =	vst v63  }
0x93: {  	p3 =	sne.s32 s0, $0x4800;
	_ =	swait.ge [sflag:s25], $0x3E80  }
0x94: {  	[sflag:s25] =	ssyncset.done $0x0  }
0x95: {  	s0 =	sadd.s32 $0x1400, s31;
	[sflag:s25] =	ssyncadd.s32 $0xFFFFC180  }
0x96: {  	[spmem:s1] =	stream.indirect.scatter.add.f32 [tilespmem:s23], [sflag:$0x3], $0x80, s0, s22, $0xb8;
	[tilespmem:$0x1E080] =	vst v63  }
0x97: {  	_ =	swait.ge [sflag:s19], $0x3E80  }
0x98: {  	[sflag:s19] =	ssyncset.done $0x0  }
0x99: {  	s0 =	sadd.s32 $0x100, s31;
	[sflag:s19] =	ssyncadd.s32 $0xFFFFC180  }
0x9a: {  	[tilespmem:s23], [sflag:$0x1] =	stream.indirect.gather [hbm4b:s3+s22], $0x80, s0, s22, $0xb8;
	[tilespmem:$0x1E080] =	vst v63  }
0x9b: {  	_ =	swait.ge [sflag:s26], $0x3E80  }
.Ltmp5:
0x9c: {  	[sflag:s26] =	ssyncset.done $0x0;
	(pc) =	sbr.rel @p3 .LBB2_8-.Ltmp5, $4  }
0x9d: {  	s0 =	sadd.s32 $0x1480, s31;
	[sflag:s26] =	ssyncadd.s32 $0xFFFFC180  }
0x9e: {  	[spmem:s1] =	stream.indirect.scatter.add.f32 [tilespmem:s24], [sflag:$0x3], $0x80, s0, s22, $0xb8;
	[tilespmem:$0x1E080] =	vst v63  }
0x9f: {  	_ =	swait.ge [sflag:s19], $0x3E80  }
0xa0: {  	s31 =	sshra.s32 s7, $0x2;
	s0 =	smov.u32 s9;
	[sflag:s19] =	ssyncset.done $0x0  }
0xa1: {  	s0 =	sadd.s32 $0x80, s31;
	[sflag:s19] =	ssyncadd.s32 $0xFFFFC180  }
0xa2: {  	[tilespmem:s24], [sflag:$0x2] =	stream.indirect.gather [hbm4b:s3+s22], $0x80, s0, s22, $0xb8;
	[tilespmem:$0x1E080] =	vst v63  }
0xa3: {  	_ =	swait.ge [sflag:s25], $0x3E80  }
0xa4: {  	[sflag:s25] =	ssyncset.done $0x0  }
0xa5: {  	s4 =	sadd.s32 $0x1400, s31;
	[sflag:s25] =	ssyncadd.s32 $0xFFFFC180  }
0xa6: {  	[spmem:s1] =	stream.indirect.scatter.add.f32 [tilespmem:s23], [sflag:$0x3], $0x80, s4, s22, $0xb8;
	[tilespmem:$0x1E080] =	vst v63  }
0xa7: {  	_ =	swait.ge [sflag:s19], $0x3E80  }
0xa8: {  	[sflag:s19] =	ssyncset.done $0x0  }
0xa9: {  	s7 =	sadd.s32 $0x100, s31;
	[sflag:s19] =	ssyncadd.s32 $0xFFFFC180  }
0xaa: {  	[tilespmem:s23], [sflag:$0x1] =	stream.indirect.gather [hbm4b:s3+s22], $0x80, s7, s22, $0xb8;
	[tilespmem:$0x1E080] =	vst v63  }
0xab: {  	_ =	swait.ge [sflag:s26], $0x3E80  }
0xac: {  	[sflag:s26] =	ssyncset.done $0x0  }
0xad: {  	s9 =	sadd.s32 $0x1480, s31;
	[sflag:s26] =	ssyncadd.s32 $0xFFFFC180  }
0xae: {  	[spmem:s1] =	stream.indirect.scatter.add.f32 [tilespmem:s24], [sflag:$0x3], $0x80, s9, s22, $0xb8;
	[tilespmem:$0x1E080] =	vst v63  }
0xaf: {  	_ =	swait.ge [sflag:s19], $0x3E80  }
0xb0: {  	[sflag:s19] =	ssyncset.done $0x0  }
0xb1: {  	[sflag:s19] =	ssyncadd.s32 $0xFFFFC180  }
0xb2: {  	[tilespmem:s24], [sflag:$0x2] =	stream.indirect.gather [hbm4b:s3+s22], $0x80, s28, s22, $0xb8;
	[tilespmem:$0x1E080] =	vst v63  }
0xb3: {  	_ =	swait.ge [sflag:s25], $0x3E80  }
0xb4: {  	[sflag:s25] =	ssyncset.done $0x0  }
0xb5: {  	[sflag:s25] =	ssyncadd.s32 $0xFFFFC180  }
0xb6: {  	[spmem:s1] =	stream.indirect.scatter.add.f32 [tilespmem:s23], [sflag:$0x3], $0x80, s29, s22, $0xb8;
	[tilespmem:$0x1E080] =	vst v63  }
0xb7: {  	_ =	swait.ge [sflag:s19], $0x3E80  }
0xb8: {  	[sflag:s19] =	ssyncset.done $0x0  }
0xb9: {  	[sflag:s19] =	ssyncadd.s32 $0xFFFFC180  }
0xba: {  	[tilespmem:s23], [sflag:$0x1] =	stream.indirect.gather [hbm4b:s3+s22], $0x80, s28, s22, $0xb8;
	[tilespmem:$0x1E080] =	vst v63  }
0xbb: {  	_ =	swait.ge [sflag:s26], $0x3E80  }
0xbc: {  	[sflag:s26] =	ssyncset.done $0x0  }
0xbd: {  	[sflag:s26] =	ssyncadd.s32 $0xFFFFC180  }
0xbe: {  	[spmem:s1] =	stream.indirect.scatter.add.f32 [tilespmem:s24], [sflag:$0x3], $0x80, s30, s22, $0xb8;
	[tilespmem:$0x1E080] =	vst v63  }
0xbf: {  	_ =	swait.ge [sflag:s19], $0x3E80  }
0xc0: {  	[sflag:s19] =	ssyncset.done $0x0  }
0xc1: {  	[sflag:s19] =	ssyncadd.s32 $0xFFFFC180  }
0xc2: {  	_ =	swait.ge [sflag:s25], $0x3E80  }
0xc3: {  	[sflag:s25] =	ssyncset.done $0x0  }
0xc4: {  	[sflag:s25] =	ssyncadd.s32 $0xFFFFC180  }
0xc5: {  	s31 =	sadd.s32 s6, s14;
	s4 =	sor.u32 $0x1C03, s16;
	[bflag:$0x0] =	sbarrier.arrive $0xFFFF  }
0xc6: {  	[hbm:s31], [sflag:s4] =	dma.local [spmem:s18], $0x2700  }
0xc7: {  	_ =	swait.ge [sflag:s19], $0x2700  }
0xc8: {  	s2 =	sadd.s32 $0x1, s2;
	s0 =	sadd.s32 @!p1 $0x27000, s14;
	[sflag:s19] =	ssyncset.done $0x0  }
0xc9: {  	p3 =	sne.s32 s2, s15;
	s7 =	sshrl.u32 @!p1 s8, $0x3;
	[sflag:s19] =	ssyncadd.s32 $0xFFFFD900  }
0xca: {  	[hbm:s0], [sflag:s4] =	dma.local @!p1 [spmem:s7], $0x100  }
.Ltmp6:
0xcb: {  	_ = 	snop;
	(pc) =	sbr.rel @p3 .LBB2_1-.Ltmp6, $4  }
0xcc: {  	s0 =	simm.s32 @!p1 $0x3  }
0xcd: {  	_ =	swait.ge @!p1 [sflag:s0], $0x100  }
0xce: {  	[sflag:s0] =	ssyncset.done @!p1 $0x0  }
0xcf: {  	[sflag:s0] =	ssyncadd.s32 @!p1 $0xFFFFFF00  }
0xd0: {  	_ =	sfence.sel $0x180000  }
0xd1: {  	[bflag:$0x0] =	sbarrier.arrive $0xFFFF  }
0xd2: {  	_ =	strace $0x9000004A  }
0xd3: {  	s0 =	stileid.u32;
	[bflag:$0x2] =	sbarrier.arrive $0xFFFF  }
0xd4: {  	p0 =	sne.s32 s0, $0x0;
	s0 =	rddreg [dreg:$0x2]  }
0xd5: {  	s0 =	sadd.s32 @!p0 $0x100000, s0  }
0xd6: {  	[sflag:s0] =	ssyncadd.tile.s32 @!p0 $0x1;
	_ =	shalt  }
.Lfunc_end2:
_tile_overlayer_lowered:
.L_overlay_start_2:
0xd7: {  	(tag) =	ssettag $0x2  }
0xd8: {  	s0 =	rddreg [dreg:$0x0];
	s2 =	stileid.u32  }
0xd9: {  	s1 =	rddreg [dreg:$0x1];
	p0 =	sne.s32 s2, $0x0  }
0xda: {  	s3 =	rddreg [dreg:$0x2];
	[bflag:$0x3] =	sbarrier.arrive $0xFFFF;
	s2 =	simm.s32 @!p0 $0x1C03  }
0xdb: {  	[timem:s3], [sflag:s2] =	dma.local @!p0 [hbm:s0], s1  }
0xdc: {  	s0 =	simm.s32 @!p0 $0x3  }
0xdd: {  	_ =	swait.ge @!p0 [sflag:s0], s1  }
0xde: {  	s1 =	ssub.s32 @!p0 $0x0, s1;
	[sflag:s0] =	ssyncset.done @!p0 $0x0  }
0xdf: {  	[sflag:s0] =	ssyncadd.s32 @!p0 s1  }
0xe0: {  	[bflag:$0x3] =	sbarrier.arrive $0xFFFF  }
0xe1: {  	_ =	shalt  }

// kernel: kernel.14.cloned.1.call-start
scs
__scs_entry_jumppad:
0x0: {  	(pc) =	sbr.rel $0x88, $3  }
0x1: {  	(tag) =	ssettag $0x0;
	lr =	simm.s32 $0x1  }
0x2: {  	[smem:$0x3F98] =	sst lr;
	_ =	strace $0xD0000000  }
0x3: {  	_ = 	snop  }
0x4: {  	_ = 	snop  }
0x5: {  	_ = 	snop  }
0x6: {  	_ = 	snop  }
0x7: {  	_ = 	snop  }
__scs_overlays_trampoline_lowered:
0x8: {  	[smem:$0x3FA7] =	sst s0  }
0x9: {  	[smem:$0x3FA8] =	sst s1  }
0xa: {  	[smem:$0x3FA9] =	sst s2  }
0xb: {  	[smem:$0x3FAA] =	sst s3  }
0xc: {  	[smem:$0x3FAB] =	sst s4  }
0xd: {  	[smem:$0x3FAC] =	sst s5  }
0xe: {  	[smem:$0x3FAD] =	sst s6  }
0xf: {  	[smem:$0x3FAE] =	sst s7  }
0x10: {  	[smem:$0x3FAF] =	sst s8  }
0x11: {  	[smem:$0x3FB0] =	sst s9;
	s0 =	simm.s32 @!p0 $0x0  }
0x12: {  	s1 =	sld [smem:$0x3F96];
	s0 =	simm.s32 @p0 $0x1  }
0x13: {  	[smem:$0x3FB1] =	sst s0;
	s0 =	simm.s32 @!p1 $0x0  }
0x14: {  	s2 =	sld [smem:$0x3F95];
	s0 =	simm.s32 @p1 $0x1  }
0x15: {  	[smem:$0x3FB2] =	sst s0;
	s0 =	simm.s32 @!p2 $0x0  }
0x16: {  	s3 =	sld [smem:$0x3FDB];
	s0 =	simm.s32 @p2 $0x1  }
0x17: {  	s4 =	simm.s32 $0x1BF5;
	[smem:$0x3FB4] =	sst s0  }
0x18: {  	s0 =	sld [smem:$0x3F97];
	_ =	swait.ge [sflag:s4], $0x0  }
0x19: {  	s7 =	sld [smem:$0x3F98]  }
0x1a: {  	s8 =	sadd.s32 $0xFFFFE003, lr  }
0x1b: {  	s9 =	sadd.s32 $0xFFFFFEF7, lr;
	s5 =	simm.s32 $0xFFFFFFFF;
	p2 =	slt.u32 s8, $0xFFFFF086  }
0x1c: {  	p1 =	slt.u32 s9, $0xF7A;
	s5 =	simm.s32 @!p2 $0x0  }
0x1d: {  	s5 =	simm.s32 @p1 $0x1;
	p0 =	seq.s32 s7, s2  }
0x1e: {  	s7 =	smul.u32 @!p0 $0xF7A, s2;
	p2 =	seq.s32 @!p0 s5, $0x0  }
0x1f: {  	s9 =	smul.u32 $0xF7A, s1;
	s8 =	simm.s32 @!p0 $0x1BF5;
	p2 =	por !p2, p0  }
0x20: {  	[sflag:s8] =	ssyncset.s32 @!p0 $0xFFFFF086;
	s6 =	sadd.s32 @!p0 s3, s7;
	s7 =	simm.s32 @!p0 $0x108  }
0x21: {  	s3 =	sadd.s32 s3, s9;
	s6 =	sadd.s32 @!p0 $0x88, s6;
	s7 =	simm.s32 @p2 $0x1082  }
0x22: {  	[simem:s7], [sflag:s8] =	dma.local @!p0 [hbm:s6], $0xF7A  }
0x23: {  	s9 =	sor.u32 $0xD0000000, s2;
	s6 =	simm.s32 $0x108;
	_ =	swait.ge @!p0 [sflag:s8], $0x0  }
0x24: {  	s3 =	sadd.s32 $0x88, s3;
	s6 =	simm.s32 @!p1 $0x1082;
	[sflag:s4] =	ssyncset.s32 $0xFFFFF086  }
0x25: {  	[simem:s6], [sflag:s4] =	dma.local [hbm:s3], $0xF7A  }
0x26: {  	[smem:$0x3F98] =	sst s1;
	(tag) =	ssettag s2;
	_ =	strace s9  }
0x27: {  	s1 =	sld [smem:$0x3FA8]  }
0x28: {  	s2 =	sld [smem:$0x3FA9]  }
0x29: {  	s4 =	sld [smem:$0x3FAB]  }
0x2a: {  	p0 =	seq.s32 s5, $0x0;
	s5 =	sld [smem:$0x3FAC]  }
0x2b: {  	s6 =	sld [smem:$0x3FAD]  }
0x2c: {  	s7 =	sld [smem:$0x3FAE]  }
0x2d: {  	s3 =	simm.s32 $0x108;
	s8 =	sld [smem:$0x3FAF]  }
0x2e: {  	s3 =	simm.s32 @!p0 $0x1082;
	s9 =	sld [smem:$0x3FB0]  }
0x2f: {  	lr =	sadd.s32 s0, s3;
	s0 =	sld [smem:$0x3FA7]  }
0x30: {  	s3 =	sld [smem:$0x3FAA]  }
0x31: {  	[smem:$0x3FB3] =	sst s10  }
0x32: {  	s10 =	sld [smem:$0x3FB1];
	_ =	sdelay $0x3  }
0x33: {  	p0 =	seq.s32 s10, $0x1;
	s10 =	sld [smem:$0x3FB3];
	_ =	sdelay $0x3  }
0x34: {  	[smem:$0x3FB3] =	sst s10  }
0x35: {  	s10 =	sld [smem:$0x3FB2];
	_ =	sdelay $0x3  }
0x36: {  	p1 =	seq.s32 s10, $0x1;
	s10 =	sld [smem:$0x3FB3];
	_ =	sdelay $0x3  }
0x37: {  	[smem:$0x3FB3] =	sst s10  }
0x38: {  	s10 =	sld [smem:$0x3FB4]  }
0x39: {  	_ = 	snop;
	(pc) =	sbr.ind lr, $3  }
0x3a: {  	_ = 	snop  }
0x3b: {  	_ = 	snop  }
0x3c: {  	p2 =	seq.s32 s10, $0x1;
	s10 =	sld [smem:$0x3FB3]  }
0x3d: {  	_ =	shalt  }
0x3e: {  	_ =	shalt  }
0x3f: {  	_ =	shalt  }
0x40: {  	_ =	shalt  }
0x41: {  	_ =	shalt  }
0x42: {  	_ =	shalt  }
0x43: {  	_ =	shalt  }
0x44: {  	_ =	shalt  }
0x45: {  	_ =	shalt  }
0x46: {  	_ =	shalt  }
0x47: {  	_ =	shalt  }
0x48: {  	_ =	shalt  }
0x49: {  	_ =	shalt  }
0x4a: {  	_ =	shalt  }
0x4b: {  	_ =	shalt  }
0x4c: {  	_ =	shalt  }
0x4d: {  	_ =	shalt  }
0x4e: {  	_ =	shalt  }
0x4f: {  	_ =	shalt  }
0x50: {  	_ =	shalt  }
0x51: {  	_ =	shalt  }
0x52: {  	_ =	shalt  }
0x53: {  	_ =	shalt  }
0x54: {  	_ =	shalt  }
0x55: {  	_ =	shalt  }
0x56: {  	_ =	shalt  }
0x57: {  	_ =	shalt  }
0x58: {  	_ =	shalt  }
0x59: {  	_ =	shalt  }
0x5a: {  	_ =	shalt  }
0x5b: {  	_ =	shalt  }
0x5c: {  	_ =	shalt  }
0x5d: {  	_ =	shalt  }
0x5e: {  	_ =	shalt  }
0x5f: {  	_ =	shalt  }
0x60: {  	_ =	shalt  }
0x61: {  	_ =	shalt  }
0x62: {  	_ =	shalt  }
0x63: {  	_ =	shalt  }
0x64: {  	_ =	shalt  }
0x65: {  	_ =	shalt  }
0x66: {  	_ =	shalt  }
0x67: {  	_ =	shalt  }
0x68: {  	_ =	shalt  }
0x69: {  	_ =	shalt  }
0x6a: {  	_ =	shalt  }
0x6b: {  	_ =	shalt  }
0x6c: {  	_ =	shalt  }
0x6d: {  	_ =	shalt  }
0x6e: {  	_ =	shalt  }
0x6f: {  	_ =	shalt  }
0x70: {  	_ =	shalt  }
0x71: {  	_ =	shalt  }
0x72: {  	_ =	shalt  }
0x73: {  	_ =	shalt  }
0x74: {  	_ =	shalt  }
0x75: {  	_ =	shalt  }
0x76: {  	_ =	shalt  }
0x77: {  	_ =	shalt  }
0x78: {  	_ =	shalt  }
0x79: {  	_ =	shalt  }
0x7a: {  	_ =	shalt  }
0x7b: {  	_ =	shalt  }
0x7c: {  	_ =	shalt  }
0x7d: {  	_ =	shalt  }
0x7e: {  	_ =	shalt  }
0x7f: {  	_ =	shalt  }
0x80: {  	_ =	shalt  }
0x81: {  	_ =	shalt  }
0x82: {  	_ =	shalt  }
0x83: {  	_ =	shalt  }
0x84: {  	_ =	shalt  }
0x85: {  	_ =	shalt  }
0x86: {  	_ =	shalt  }
0x87: {  	_ =	shalt  }
.Lfunc_end0:
.L_simem_size_0:
called_computation.2_lowered:
.L_overlay_start_0:
0x88: {  	s2 =	sld [smem:$0x3FD9]  }
0x89: {  	s3 =	sld [smem:$0x3FFE];
	_ =	sdelay $0x1  }
0x8a: {  	s1 =	srdreg.scid  }
0x8b: {  	s0 =	sand.u32 $0x1, s1  }
0x8c: {  	s16 =	sshll.u32 s0, $0xA;
	s2 =	sadd.s32 s3, s2  }
0x8d: {  	s2 =	sadd.s32 s2, s16  }
0x8e: {  	[smem:$0x3FBF] =	sst s2  }
0x8f: {  	_ = 	snop  }
0x90: {  	(tm) =	ssettm $0x1  }
0x91: {  	s17 =	sld [smem:$0x3FFB];
	_ =	sdelay $0x3  }
0x92: {  	_ =	strace s17  }
0x93: {  	s2 =	sld [smem:$0x3FFC];
	_ =	sdelay $0x3  }
0x94: {  	_ =	strace s2  }
0x95: {  	s2 =	sld [smem:$0x3FFD];
	_ =	sdelay $0x3  }
0x96: {  	_ =	strace s2  }
0x97: {  	_ =	strace $0x8FFFFFFF  }
0x98: {  	s18 =	sld [smem:$0x3FDB];
	_ =	sdelay $0x1  }
0x99: {  	s19 =	simm.s32 $_scs_section_size  }
0x9a: {  	s4 =	simm.s32 $_size__tile_overlayer_lowered;
	s5 =	simm.s32 $_tile_overlayer_lowered  }
0x9b: {  	s22 =	simm.s32 $0x1BFF;
	s21 =	sshll.u32 s5, $0x1;
	s2 =	sadd.s32 s19, s18  }
0x9c: {  	s6 =	simm.s32 $0x0;
	s20 =	sshll.u32 s4, $0x1;
	s4 =	sadd.s32 s21, s2  }
0x9d: {  	[timem:s6], [sflag:s22] =	dma.local [hbm:s4], s20  }
0x9e: {  	_ =	swait.ge [sflag:s22], s20  }
0x9f: {  	s3 =	ssub.s32 $0x0, s20;
	[sflag:s22] =	ssyncset.done $0x0  }
0xa0: {  	[sflag:s22] =	ssyncadd.s32 s3;
	_ =	sdelay $0x1  }
0xa1: {  	s23 =	simm.s32 $0x1B8B  }
0xa2: {  	_ =	swait.ge [sflag:s23], $0x1  }
0xa3: {  	[sflag:s23] =	ssyncset.done $0x0  }
0xa4: {  	s25 =	simm.s32 $0x1B8E;
	s24 =	sld [smem:$0x3FFE];
	[sflag:s23] =	ssyncadd.s32 $0xFFFFFFFF  }
0xa5: {  	s26 =	simm.s32 $execute0_lowered;
	[smem:$0x3FD2] =	sst s25  }
0xa6: {  	s4 =	sshll.u32 s26, $0x1;
	_ =	strace $0x8000004C;
	[dreg:$0x1] =	wrdreg $0xFFFFFFFF  }
0xa7: {  	s28 =	simm.s32 $_size_execute0_lowered;
	s2 =	sadd.s32 s2, s4;
	[dreg:$0x0] =	wrdreg $0x0  }
0xa8: {  	s4 =	sshll.u32 s28, $0x1;
	[dreg:$0x2] =	wrdreg s2  }
0xa9: {  	[dreg:$0x3] =	wrdreg s4  }
0xaa: {  	[dreg:$0x4] =	wrdreg $0xC0  }
0xab: {  	_ =	task [dreg:s6], $0x5FFFF  }
0xac: {  	[dreg:$0x1] =	wrdreg $0xFFFFFFFF  }
0xad: {  	[dreg:$0x0] =	wrdreg $0x60  }
0xae: {  	[dreg:$0x2] =	wrdreg s24  }
0xaf: {  	[dreg:$0x3] =	wrdreg $0xA8000  }
0xb0: {  	[dreg:$0x4] =	wrdreg $0x9  }
0xb1: {  	_ =	task.clear_ibuf [dreg:s6], $0x5FFFF;
	_ =	strace $0x9000004C  }
0xb2: {  	s29 =	simm.s32 $0x9;
	_ =	strace $0x8000004E  }
0xb3: {  	_ =	swait.ge [sflag:s29], $0x1  }
0xb4: {  	[sflag:s29] =	ssyncadd.s32 $0xFFFFFFFF  }
0xb5: {  	_ =	strace $0x9000004E  }
0xb6: {  	_ =	sfence  }
0xb7: {  	s30 =	sld [smem:$0x0];
	_ =	sdelay $0x2  }
0xb8: {  	s31 =	sshll.u32 s1, $0xD;
	s1 =	sshrl.u32 s1, $0x2  }
0xb9: {  	s3 =	sand.u32 $0x4000, s31;
	s1 =	sadd.s32 s1, s30  }
0xba: {  	s0 =	sor.u32 s3, s0;
	s1 =	sshll.u32 s1, $0x11  }
0xbb: {  	s0 =	sor.u32 s1, s0  }
0xbc: {  	s0 =	sadd.s32 $0x8F2B, s0  }
0xbd: {  	[sflag:s0] =	ssyncadd.remote.s32 $0x1  }
0xbe: {  	_ =	sfence.sel $0xFFFF  }
0xbf: {  	[dreg:$0x0] =	wrdreg $0xFFFFFFFF;
	(pc) =	sbr.abs _section_cstart, $3  }
0xc0: {  	[dreg:$0x1] =	wrdreg $0xFFFFFFFF  }
0xc1: {  	_ =	task.clear_ibuf [dreg:s6], $0x2FFFF;
	_ =	strace $0x9FFFFFFF  }
0xc2: {  	(tm) =	ssettm $0x7FFFFFFF  }
0xc3: {  	_ =	shalt  }
tec
execute0_lowered:
.L_overlay_start_1:
0x0: {  	(tag) =	ssettag $0x1  }
0x1: {  	s0 =	rddreg [dreg:$0x0]  }
0x2: {  	s1 =	rddreg [dreg:$0x1];
	s2 =	simm.s32 $0x0;
	s3 =	srdreg.scid  }
0x3: {  	s19 =	simm.s32 $0x3;
	s21 =	simm.s32 $0x1400;
	s22 =	simm.s32 $0x7D  }
0x4: {  	s23 =	simm.s32 $0x2800;
	s28 =	simm.s32 $0x1380;
	s29 =	simm.s32 $0x2700  }
0x5: {  	s30 =	simm.s32 $0x2780;
	[smem:$0x7FF] =	sst s2;
	s7 =	sand.u32 $0x1, s3  }
0x6: {  	s3 =	sadd.s32 $0x33600, s0;
	s12 =	sadd.s32 $0x82000, s0;
	s13 =	sadd.s32 $0x2400, s0  }
0x7: {  	s5 =	sadd.s32 $0xC400, s0;
	_ =	strace $0x8000004D;
	s4 =	smul.u32 $0x27100, s7  }
0x8: {  	s8 =	ssub.s32 $0x2, s7;
	s6 =	sshll.u32 s7, $0x4;
	p0 =	seq.s32 s7, $0x1  }
0x9: {  	s10 =	sshrl.u32 s8, $0x1;
	s0 =	sadd.s32 s4, s0;
	s4 =	stileid.u32  }
0xa: {  	s15 =	ssub.s32 s8, s10;
	s8 =	sadd.s32 $0x138000, s1;
	s9 =	smul.u32 $0x4E000, s4  }
0xb: {  	s11 =	sor.u32 s4, s6;
	s6 =	smul.u32 $0x2700, s4;
	s15 =	smax.u32 s15, $0x1  }
0xc: {  	s16 =	sshll.u32 s4, $0x6;
	p1 =	sne.s32 s4, $0xF;
	s25 =	smul.u32 $0x2800, s11  }
0xd: {  	s20 =	sshrl.u32 s8, $0x3;
	p2 =	seq.s32 s4, $0xF;
	s11 =	smul.u32 $0x500, s11  }
0xe: {  	s17 =	sor.u32 $0x1C03, s16;
	s24 =	sshrl.u32 s9, $0x2;
	s26 =	sadd.s32 s3, s6  }
0xf: {  	s31 =	sadd.s32 s5, s6;
	s18 =	sadd.s32 s24, s1;
	[dreg:$0x3] =	wrdreg s26  }
0x10: {  	s14 =	sshrl.u32 s25, $0x3;
	[dreg:$0x4] =	wrdreg s31;
	s10 =	sadd.s32 s12, s11  }
0x11: {  	s11 =	sadd.s32 s13, s11;
	s24 =	simm.s32 $0x6800;
	s25 =	simm.s32 $0x1  }
0x12: {  	s26 =	simm.s32 $0x2;
	s14 =	sadd.s32 $0x280, s14;
	s18 =	sshrl.u32 s18, $0x3  }
0x13: {  	s12 =	sadd.s32 s12, s14;
	s13 =	sadd.s32 s13, s14;
	s14 =	sadd.s32 $0x8C000, s0  }
.LBB2_1:
.Ltmp0:
0x14: {  	(pc) =	sbr.rel @!p0 .LBB2_2-.Ltmp0, $1  }
0x15: {  	_ =	sdelay $0x3  }
0x16: {  	s0 =	rddreg [dreg:$0x4]  }
0x17: {  	[spmem:s18], [sflag:s17] =	dma.local [hbm:s0], $0x2700  }
.Ltmp1:
0x18: {  	_ = 	snop;
	(pc) =	sbr.rel @p1 .LBB2_5-.Ltmp1, $4  }
.Ltmp2:
0x19: {  	_ = 	snop;
	(pc) =	sbr.rel @!p1 .LBB2_4-.Ltmp2, $4  }
0x1a: {  	_ =	swait.ge [sflag:s19], $0x2700  }
0x1b: {  	[sflag:s19] =	ssyncset.done $0x0  }
0x1c: {  	s31 =	smov.u32 s5;
	s0 =	smov.u32 s17;
	[sflag:s19] =	ssyncadd.s32 $0xFFFFD900  }
0x1d: {  	_ = 	snop  }
.LBB2_2:
.Ltmp3:
0x1e: {  	s0 =	sor.u32 $0x1C03, s16;
	s4 =	rddreg [dreg:$0x3];
	(pc) =	sbr.rel @!p2 .LBB2_5-.Ltmp3, $4  }
0x1f: {  	[spmem:s18], [sflag:s0] =	dma.local [hbm:s4], $0x2700  }
0x20: {  	_ =	swait.ge [sflag:s19], $0x2700  }
0x21: {  	[sflag:s19] =	ssyncset.done $0x0  }
0x22: {  	s31 =	smov.u32 s3;
	[sflag:s19] =	ssyncadd.s32 $0xFFFFD900  }
.LBB2_4:
0x23: {  	s31 =	sadd.s32 $0x27000, s31  }
0x24: {  	[spmem:s20], [sflag:s0] =	dma.local [hbm:s31], $0x100  }
0x25: {  	_ =	swait.ge [sflag:s19], $0x100  }
0x26: {  	[sflag:s19] =	ssyncset.done $0x0  }
0x27: {  	[sflag:s19] =	ssyncadd.s32 $0xFFFFFF00  }
.LBB2_5:
0x28: {  	[bflag:$0x0] =	sbarrier.arrive $0xFFFF;
	s0 =	simm.s32 $0x0  }
0x29: {  	[tilespmem:s0], [sflag:$0x3] =	stream.linear.gather [hbm4b:s10+s0], $0x1400, $0x38;
	[tilespmem:$0x1E080] =	vst v63  }
0x2a: {  	_ =	swait.ge [sflag:s19], $0x1400  }
0x2b: {  	[sflag:s19] =	ssyncset.done $0x0  }
0x2c: {  	[sflag:s19] =	ssyncadd.s32 $0xFFFFEC00  }
0x2d: {  	[tilespmem:s21], [sflag:$0x3] =	stream.linear.gather [hbm4b:s11+s0], $0x1400, $0x38;
	[tilespmem:$0x1E080] =	vst v63  }
0x2e: {  	_ =	swait.ge [sflag:s19], $0x1400  }
0x2f: {  	[sflag:s19] =	ssyncset.done $0x0  }
0x30: {  	[sflag:s19] =	ssyncadd.s32 $0xFFFFEC00  }
0x31: {  	[tilespmem:s23], [sflag:$0x1] =	stream.indirect.gather [hbm4b:s3+s22], $0x80, s0, s22, $0xb8;
	[tilespmem:$0x1E080] =	vst v63  }
0x32: {  	s9 =	simm.s32 $0x80  }
0x33: {  	[tilespmem:s24], [sflag:$0x2] =	stream.indirect.gather [hbm4b:s3+s22], $0x80, s9, s22, $0xb8;
	[tilespmem:$0x1E080] =	vst v63  }
0x34: {  	_ =	swait.ge [sflag:s25], $0x3E80  }
0x35: {  	[sflag:s25] =	ssyncset.done $0x0  }
0x36: {  	s4 =	simm.s32 $0x1400;
	[sflag:s25] =	ssyncadd.s32 $0xFFFFC180  }
0x37: {  	[spmem:s1] =	stream.indirect.scatter.add.f32 [tilespmem:s23], [sflag:$0x3], $0x80, s4, s22, $0xb8;
	[tilespmem:$0x1E080] =	vst v63  }
0x38: {  	_ =	swait.ge [sflag:s19], $0x3E80  }
0x39: {  	[sflag:s19] =	ssyncset.done $0x0  }
0x3a: {  	s7 =	simm.s32 $0x100;
	[sflag:s19] =	ssyncadd.s32 $0xFFFFC180  }
0x3b: {  	[tilespmem:s23], [sflag:$0x1] =	stream.indirect.gather [hbm4b:s3+s22], $0x80, s7, s22, $0xb8;
	[tilespmem:$0x1E080] =	vst v63  }
0x3c: {  	_ =	swait.ge [sflag:s26], $0x3E80  }
0x3d: {  	[sflag:s26] =	ssyncset.done $0x0  }
0x3e: {  	s9 =	simm.s32 $0x1480;
	[sflag:s26] =	ssyncadd.s32 $0xFFFFC180  }
0x3f: {  	[spmem:s1] =	stream.indirect.scatter.add.f32 [tilespmem:s24], [sflag:$0x3], $0x80, s9, s22, $0xb8;
	[tilespmem:$0x1E080] =	vst v63  }
0x40: {  	_ =	swait.ge [sflag:s19], $0x3E80  }
0x41: {  	s31 =	simm.s32 $0x100;
	s0 =	simm.s32 $0x800;
	[sflag:s19] =	ssyncset.done $0x0  }
.LBB2_6:
0x42: {  	s4 =	sadd.s32 $0x80, s31  }
0x43: {  	[sflag:s19] =	ssyncadd.s32 $0xFFFFC180;
	s7 =	smov.u32 s0;
	s9 =	sadd.s32 $0x400, s0  }
0x44: {  	[tilespmem:s24], [sflag:$0x2] =	stream.indirect.gather [hbm4b:s3+s22], $0x80, s4, s22, $0xb8;
	[tilespmem:$0x1E080] =	vst v63  }
0x45: {  	p3 =	sne.s32 s0, $0x4800;
	_ =	swait.ge [sflag:s25], $0x3E80  }
0x46: {  	[sflag:s25] =	ssyncset.done $0x0  }
0x47: {  	s0 =	sadd.s32 $0x1400, s31;
	[sflag:s25] =	ssyncadd.s32 $0xFFFFC180  }
0x48: {  	[spmem:s1] =	stream.indirect.scatter.add.f32 [tilespmem:s23], [sflag:$0x3], $0x80, s0, s22, $0xb8;
	[tilespmem:$0x1E080] =	vst v63  }
0x49: {  	_ =	swait.ge [sflag:s19], $0x3E80  }
0x4a: {  	[sflag:s19] =	ssyncset.done $0x0  }
0x4b: {  	s0 =	sadd.s32 $0x100, s31;
	[sflag:s19] =	ssyncadd.s32 $0xFFFFC180  }
0x4c: {  	[tilespmem:s23], [sflag:$0x1] =	stream.indirect.gather [hbm4b:s3+s22], $0x80, s0, s22, $0xb8;
	[tilespmem:$0x1E080] =	vst v63  }
0x4d: {  	_ =	swait.ge [sflag:s26], $0x3E80  }
.Ltmp4:
0x4e: {  	[sflag:s26] =	ssyncset.done $0x0;
	(pc) =	sbr.rel @p3 .LBB2_6-.Ltmp4, $4  }
0x4f: {  	s0 =	sadd.s32 $0x1480, s31;
	[sflag:s26] =	ssyncadd.s32 $0xFFFFC180  }
0x50: {  	[spmem:s1] =	stream.indirect.scatter.add.f32 [tilespmem:s24], [sflag:$0x3], $0x80, s0, s22, $0xb8;
	[tilespmem:$0x1E080] =	vst v63  }
0x51: {  	_ =	swait.ge [sflag:s19], $0x3E80  }
0x52: {  	s31 =	sshra.s32 s7, $0x2;
	s0 =	smov.u32 s9;
	[sflag:s19] =	ssyncset.done $0x0  }
0x53: {  	s0 =	sadd.s32 $0x80, s31;
	[sflag:s19] =	ssyncadd.s32 $0xFFFFC180  }
0x54: {  	[tilespmem:s24], [sflag:$0x2] =	stream.indirect.gather [hbm4b:s3+s22], $0x80, s0, s22, $0xb8;
	[tilespmem:$0x1E080] =	vst v63  }
0x55: {  	_ =	swait.ge [sflag:s25], $0x3E80  }
0x56: {  	[sflag:s25] =	ssyncset.done $0x0  }
0x57: {  	s7 =	sadd.s32 $0x1400, s31;
	[sflag:s25] =	ssyncadd.s32 $0xFFFFC180  }
0x58: {  	[spmem:s1] =	stream.indirect.scatter.add.f32 [tilespmem:s23], [sflag:$0x3], $0x80, s7, s22, $0xb8;
	[tilespmem:$0x1E080] =	vst v63  }
0x59: {  	_ =	swait.ge [sflag:s19], $0x3E80  }
0x5a: {  	[sflag:s19] =	ssyncset.done $0x0  }
0x5b: {  	s9 =	sadd.s32 $0x100, s31;
	[sflag:s19] =	ssyncadd.s32 $0xFFFFC180  }
0x5c: {  	[tilespmem:s23], [sflag:$0x1] =	stream.indirect.gather [hbm4b:s3+s22], $0x80, s9, s22, $0xb8;
	[tilespmem:$0x1E080] =	vst v63  }
0x5d: {  	_ =	swait.ge [sflag:s26], $0x3E80  }
0x5e: {  	[sflag:s26] =	ssyncset.done $0x0  }
0x5f: {  	s4 =	sadd.s32 $0x1480, s31;
	[sflag:s26] =	ssyncadd.s32 $0xFFFFC180  }
0x60: {  	[spmem:s1] =	stream.indirect.scatter.add.f32 [tilespmem:s24], [sflag:$0x3], $0x80, s4, s22, $0xb8;
	[tilespmem:$0x1E080] =	vst v63  }
0x61: {  	_ =	swait.ge [sflag:s19], $0x3E80  }
0x62: {  	[sflag:s19] =	ssyncset.done $0x0  }
0x63: {  	[sflag:s19] =	ssyncadd.s32 $0xFFFFC180  }
0x64: {  	[tilespmem:s24], [sflag:$0x2] =	stream.indirect.gather [hbm4b:s3+s22], $0x80, s28, s22, $0xb8;
	[tilespmem:$0x1E080] =	vst v63  }
0x65: {  	_ =	swait.ge [sflag:s25], $0x3E80  }
0x66: {  	[sflag:s25] =	ssyncset.done $0x0  }
0x67: {  	[sflag:s25] =	ssyncadd.s32 $0xFFFFC180  }
0x68: {  	[spmem:s1] =	stream.indirect.scatter.add.f32 [tilespmem:s23], [sflag:$0x3], $0x80, s29, s22, $0xb8;
	[tilespmem:$0x1E080] =	vst v63  }
0x69: {  	_ =	swait.ge [sflag:s19], $0x3E80  }
0x6a: {  	[sflag:s19] =	ssyncset.done $0x0  }
0x6b: {  	[sflag:s19] =	ssyncadd.s32 $0xFFFFC180  }
0x6c: {  	[tilespmem:s23], [sflag:$0x1] =	stream.indirect.gather [hbm4b:s3+s22], $0x80, s28, s22, $0xb8;
	[tilespmem:$0x1E080] =	vst v63  }
0x6d: {  	_ =	swait.ge [sflag:s26], $0x3E80  }
0x6e: {  	[sflag:s26] =	ssyncset.done $0x0  }
0x6f: {  	[sflag:s26] =	ssyncadd.s32 $0xFFFFC180  }
0x70: {  	[spmem:s1] =	stream.indirect.scatter.add.f32 [tilespmem:s24], [sflag:$0x3], $0x80, s30, s22, $0xb8;
	[tilespmem:$0x1E080] =	vst v63  }
0x71: {  	_ =	swait.ge [sflag:s19], $0x3E80  }
0x72: {  	[sflag:s19] =	ssyncset.done $0x0  }
0x73: {  	[sflag:s19] =	ssyncadd.s32 $0xFFFFC180  }
0x74: {  	_ =	swait.ge [sflag:s25], $0x3E80  }
0x75: {  	[sflag:s25] =	ssyncset.done $0x0  }
0x76: {  	s7 =	simm.s32 $0x0;
	[sflag:s25] =	ssyncadd.s32 $0xFFFFC180  }
0x77: {  	[tilespmem:s7], [sflag:$0x3] =	stream.linear.gather [hbm4b:s12+s7], $0x1400, $0x38;
	[tilespmem:$0x1E080] =	vst v63  }
0x78: {  	_ =	swait.ge [sflag:s19], $0x1400  }
0x79: {  	[sflag:s19] =	ssyncset.done $0x0  }
0x7a: {  	[sflag:s19] =	ssyncadd.s32 $0xFFFFEC00  }
0x7b: {  	[tilespmem:s21], [sflag:$0x3] =	stream.linear.gather [hbm4b:s13+s7], $0x1400, $0x38;
	[tilespmem:$0x1E080] =	vst v63  }
0x7c: {  	_ =	swait.ge [sflag:s19], $0x1400  }
0x7d: {  	[sflag:s19] =	ssyncset.done $0x0  }
0x7e: {  	[sflag:s19] =	ssyncadd.s32 $0xFFFFEC00  }
0x7f: {  	[tilespmem:s23], [sflag:$0x1] =	stream.indirect.gather [hbm4b:s3+s22], $0x80, s7, s22, $0xb8;
	[tilespmem:$0x1E080] =	vst v63  }
0x80: {  	s9 =	simm.s32 $0x80  }
0x81: {  	[tilespmem:s24], [sflag:$0x2] =	stream.indirect.gather [hbm4b:s3+s22], $0x80, s9, s22, $0xb8;
	[tilespmem:$0x1E080] =	vst v63  }
0x82: {  	_ =	swait.ge [sflag:s25], $0x3E80  }
0x83: {  	[sflag:s25] =	ssyncset.done $0x0  }
0x84: {  	s4 =	simm.s32 $0x1400;
	[sflag:s25] =	ssyncadd.s32 $0xFFFFC180  }
0x85: {  	[spmem:s1] =	stream.indirect.scatter.add.f32 [tilespmem:s23], [sflag:$0x3], $0x80, s4, s22, $0xb8;
	[tilespmem:$0x1E080] =	vst v63  }
0x86: {  	_ =	swait.ge [sflag:s19], $0x3E80  }
0x87: {  	[sflag:s19] =	ssyncset.done $0x0  }
0x88: {  	s7 =	simm.s32 $0x100;
	[sflag:s19] =	ssyncadd.s32 $0xFFFFC180  }
0x89: {  	[tilespmem:s23], [sflag:$0x1] =	stream.indirect.gather [hbm4b:s3+s22], $0x80, s7, s22, $0xb8;
	[tilespmem:$0x1E080] =	vst v63  }
0x8a: {  	_ =	swait.ge [sflag:s26], $0x3E80  }
0x8b: {  	[sflag:s26] =	ssyncset.done $0x0  }
0x8c: {  	s9 =	simm.s32 $0x1480;
	[sflag:s26] =	ssyncadd.s32 $0xFFFFC180  }
0x8d: {  	[spmem:s1] =	stream.indirect.scatter.add.f32 [tilespmem:s24], [sflag:$0x3], $0x80, s9, s22, $0xb8;
	[tilespmem:$0x1E080] =	vst v63  }
0x8e: {  	_ =	swait.ge [sflag:s19], $0x3E80  }
0x8f: {  	s31 =	simm.s32 $0x100;
	s0 =	simm.s32 $0x800;
	[sflag:s19] =	ssyncset.done $0x0  }
.LBB2_8:
0x90: {  	s4 =	sadd.s32 $0x80, s31  }
0x91: {  	[sflag:s19] =	ssyncadd.s32 $0xFFFFC180;
	s7 =	smov.u32 s0;
	s9 =	sadd.s32 $0x400, s0  }
0x92: {  	[tilespmem:s24], [sflag:$0x2] =	stream.indirect.gather [hbm4b:s3+s22], $0x80, s4, s22, $0xb8;
	[tilespmem:$0x1E080] =	vst v63  }
0x93: {  	p3 =	sne.s32 s0, $0x4800;
	_ =	swait.ge [sflag:s25], $0x3E80  }
0x94: {  	[sflag:s25] =	ssyncset.done $0x0  }
0x95: {  	s0 =	sadd.s32 $0x1400, s31;
	[sflag:s25] =	ssyncadd.s32 $0xFFFFC180  }
0x96: {  	[spmem:s1] =	stream.indirect.scatter.add.f32 [tilespmem:s23], [sflag:$0x3], $0x80, s0, s22, $0xb8;
	[tilespmem:$0x1E080] =	vst v63  }
0x97: {  	_ =	swait.ge [sflag:s19], $0x3E80  }
0x98: {  	[sflag:s19] =	ssyncset.done $0x0  }
0x99: {  	s0 =	sadd.s32 $0x100, s31;
	[sflag:s19] =	ssyncadd.s32 $0xFFFFC180  }
0x9a: {  	[tilespmem:s23], [sflag:$0x1] =	stream.indirect.gather [hbm4b:s3+s22], $0x80, s0, s22, $0xb8;
	[tilespmem:$0x1E080] =	vst v63  }
0x9b: {  	_ =	swait.ge [sflag:s26], $0x3E80  }
.Ltmp5:
0x9c: {  	[sflag:s26] =	ssyncset.done $0x0;
	(pc) =	sbr.rel @p3 .LBB2_8-.Ltmp5, $4  }
0x9d: {  	s0 =	sadd.s32 $0x1480, s31;
	[sflag:s26] =	ssyncadd.s32 $0xFFFFC180  }
0x9e: {  	[spmem:s1] =	stream.indirect.scatter.add.f32 [tilespmem:s24], [sflag:$0x3], $0x80, s0, s22, $0xb8;
	[tilespmem:$0x1E080] =	vst v63  }
0x9f: {  	_ =	swait.ge [sflag:s19], $0x3E80  }
0xa0: {  	s31 =	sshra.s32 s7, $0x2;
	s0 =	smov.u32 s9;
	[sflag:s19] =	ssyncset.done $0x0  }
0xa1: {  	s0 =	sadd.s32 $0x80, s31;
	[sflag:s19] =	ssyncadd.s32 $0xFFFFC180  }
0xa2: {  	[tilespmem:s24], [sflag:$0x2] =	stream.indirect.gather [hbm4b:s3+s22], $0x80, s0, s22, $0xb8;
	[tilespmem:$0x1E080] =	vst v63  }
0xa3: {  	_ =	swait.ge [sflag:s25], $0x3E80  }
0xa4: {  	[sflag:s25] =	ssyncset.done $0x0  }
0xa5: {  	s4 =	sadd.s32 $0x1400, s31;
	[sflag:s25] =	ssyncadd.s32 $0xFFFFC180  }
0xa6: {  	[spmem:s1] =	stream.indirect.scatter.add.f32 [tilespmem:s23], [sflag:$0x3], $0x80, s4, s22, $0xb8;
	[tilespmem:$0x1E080] =	vst v63  }
0xa7: {  	_ =	swait.ge [sflag:s19], $0x3E80  }
0xa8: {  	[sflag:s19] =	ssyncset.done $0x0  }
0xa9: {  	s7 =	sadd.s32 $0x100, s31;
	[sflag:s19] =	ssyncadd.s32 $0xFFFFC180  }
0xaa: {  	[tilespmem:s23], [sflag:$0x1] =	stream.indirect.gather [hbm4b:s3+s22], $0x80, s7, s22, $0xb8;
	[tilespmem:$0x1E080] =	vst v63  }
0xab: {  	_ =	swait.ge [sflag:s26], $0x3E80  }
0xac: {  	[sflag:s26] =	ssyncset.done $0x0  }
0xad: {  	s9 =	sadd.s32 $0x1480, s31;
	[sflag:s26] =	ssyncadd.s32 $0xFFFFC180  }
0xae: {  	[spmem:s1] =	stream.indirect.scatter.add.f32 [tilespmem:s24], [sflag:$0x3], $0x80, s9, s22, $0xb8;
	[tilespmem:$0x1E080] =	vst v63  }
0xaf: {  	_ =	swait.ge [sflag:s19], $0x3E80  }
0xb0: {  	[sflag:s19] =	ssyncset.done $0x0  }
0xb1: {  	[sflag:s19] =	ssyncadd.s32 $0xFFFFC180  }
0xb2: {  	[tilespmem:s24], [sflag:$0x2] =	stream.indirect.gather [hbm4b:s3+s22], $0x80, s28, s22, $0xb8;
	[tilespmem:$0x1E080] =	vst v63  }
0xb3: {  	_ =	swait.ge [sflag:s25], $0x3E80  }
0xb4: {  	[sflag:s25] =	ssyncset.done $0x0  }
0xb5: {  	[sflag:s25] =	ssyncadd.s32 $0xFFFFC180  }
0xb6: {  	[spmem:s1] =	stream.indirect.scatter.add.f32 [tilespmem:s23], [sflag:$0x3], $0x80, s29, s22, $0xb8;
	[tilespmem:$0x1E080] =	vst v63  }
0xb7: {  	_ =	swait.ge [sflag:s19], $0x3E80  }
0xb8: {  	[sflag:s19] =	ssyncset.done $0x0  }
0xb9: {  	[sflag:s19] =	ssyncadd.s32 $0xFFFFC180  }
0xba: {  	[tilespmem:s23], [sflag:$0x1] =	stream.indirect.gather [hbm4b:s3+s22], $0x80, s28, s22, $0xb8;
	[tilespmem:$0x1E080] =	vst v63  }
0xbb: {  	_ =	swait.ge [sflag:s26], $0x3E80  }
0xbc: {  	[sflag:s26] =	ssyncset.done $0x0  }
0xbd: {  	[sflag:s26] =	ssyncadd.s32 $0xFFFFC180  }
0xbe: {  	[spmem:s1] =	stream.indirect.scatter.add.f32 [tilespmem:s24], [sflag:$0x3], $0x80, s30, s22, $0xb8;
	[tilespmem:$0x1E080] =	vst v63  }
0xbf: {  	_ =	swait.ge [sflag:s19], $0x3E80  }
0xc0: {  	[sflag:s19] =	ssyncset.done $0x0  }
0xc1: {  	[sflag:s19] =	ssyncadd.s32 $0xFFFFC180  }
0xc2: {  	_ =	swait.ge [sflag:s25], $0x3E80  }
0xc3: {  	[sflag:s25] =	ssyncset.done $0x0  }
0xc4: {  	[sflag:s25] =	ssyncadd.s32 $0xFFFFC180  }
0xc5: {  	s31 =	sadd.s32 s6, s14;
	s4 =	sor.u32 $0x1C03, s16;
	[bflag:$0x0] =	sbarrier.arrive $0xFFFF  }
0xc6: {  	[hbm:s31], [sflag:s4] =	dma.local [spmem:s18], $0x2700  }
0xc7: {  	_ =	swait.ge [sflag:s19], $0x2700  }
0xc8: {  	s2 =	sadd.s32 $0x1, s2;
	s0 =	sadd.s32 @!p1 $0x27000, s14;
	[sflag:s19] =	ssyncset.done $0x0  }
0xc9: {  	p3 =	sne.s32 s2, s15;
	s7 =	sshrl.u32 @!p1 s8, $0x3;
	[sflag:s19] =	ssyncadd.s32 $0xFFFFD900  }
0xca: {  	[hbm:s0], [sflag:s4] =	dma.local @!p1 [spmem:s7], $0x100  }
.Ltmp6:
0xcb: {  	_ = 	snop;
	(pc) =	sbr.rel @p3 .LBB2_1-.Ltmp6, $4  }
0xcc: {  	s0 =	simm.s32 @!p1 $0x3  }
0xcd: {  	_ =	swait.ge @!p1 [sflag:s0], $0x100  }
0xce: {  	[sflag:s0] =	ssyncset.done @!p1 $0x0  }
0xcf: {  	[sflag:s0] =	ssyncadd.s32 @!p1 $0xFFFFFF00  }
0xd0: {  	_ =	sfence.sel $0x180000  }
0xd1: {  	[bflag:$0x0] =	sbarrier.arrive $0xFFFF  }
0xd2: {  	_ =	strace $0x9000004D  }
0xd3: {  	s0 =	stileid.u32;
	[bflag:$0x2] =	sbarrier.arrive $0xFFFF  }
0xd4: {  	p0 =	sne.s32 s0, $0x0;
	s0 =	rddreg [dreg:$0x2]  }
0xd5: {  	s0 =	sadd.s32 @!p0 $0x100000, s0  }
0xd6: {  	[sflag:s0] =	ssyncadd.tile.s32 @!p0 $0x1;
	_ =	shalt  }
.Lfunc_end2:
_tile_overlayer_lowered:
.L_overlay_start_2:
0xd7: {  	(tag) =	ssettag $0x2  }
0xd8: {  	s0 =	rddreg [dreg:$0x0];
	s2 =	stileid.u32  }
0xd9: {  	s1 =	rddreg [dreg:$0x1];
	p0 =	sne.s32 s2, $0x0  }
0xda: {  	s3 =	rddreg [dreg:$0x2];
	[bflag:$0x3] =	sbarrier.arrive $0xFFFF;
	s2 =	simm.s32 @!p0 $0x1C03  }
0xdb: {  	[timem:s3], [sflag:s2] =	dma.local @!p0 [hbm:s0], s1  }
0xdc: {  	s0 =	simm.s32 @!p0 $0x3  }
0xdd: {  	_ =	swait.ge @!p0 [sflag:s0], s1  }
0xde: {  	s1 =	ssub.s32 @!p0 $0x0, s1;
	[sflag:s0] =	ssyncset.done @!p0 $0x0  }
0xdf: {  	[sflag:s0] =	ssyncadd.s32 @!p0 s1  }
0xe0: {  	[bflag:$0x3] =	sbarrier.arrive $0xFFFF  }
0xe1: {  	_ =	shalt  }

// kernel: kernel.8.cloned.1.call-start
scs
__scs_entry_jumppad:
0x0: {  	(pc) =	sbr.rel $0x88, $3  }
0x1: {  	(tag) =	ssettag $0x0;
	lr =	simm.s32 $0x1  }
0x2: {  	[smem:$0x3F98] =	sst lr;
	_ =	strace $0xD0000000  }
0x3: {  	_ = 	snop  }
0x4: {  	_ = 	snop  }
0x5: {  	_ = 	snop  }
0x6: {  	_ = 	snop  }
0x7: {  	_ = 	snop  }
__scs_overlays_trampoline_lowered:
0x8: {  	[smem:$0x3FA7] =	sst s0  }
0x9: {  	[smem:$0x3FA8] =	sst s1  }
0xa: {  	[smem:$0x3FA9] =	sst s2  }
0xb: {  	[smem:$0x3FAA] =	sst s3  }
0xc: {  	[smem:$0x3FAB] =	sst s4  }
0xd: {  	[smem:$0x3FAC] =	sst s5  }
0xe: {  	[smem:$0x3FAD] =	sst s6  }
0xf: {  	[smem:$0x3FAE] =	sst s7  }
0x10: {  	[smem:$0x3FAF] =	sst s8  }
0x11: {  	[smem:$0x3FB0] =	sst s9;
	s0 =	simm.s32 @!p0 $0x0  }
0x12: {  	s1 =	sld [smem:$0x3F96];
	s0 =	simm.s32 @p0 $0x1  }
0x13: {  	[smem:$0x3FB1] =	sst s0;
	s0 =	simm.s32 @!p1 $0x0  }
0x14: {  	s2 =	sld [smem:$0x3F95];
	s0 =	simm.s32 @p1 $0x1  }
0x15: {  	[smem:$0x3FB2] =	sst s0;
	s0 =	simm.s32 @!p2 $0x0  }
0x16: {  	s3 =	sld [smem:$0x3FDB];
	s0 =	simm.s32 @p2 $0x1  }
0x17: {  	s4 =	simm.s32 $0x1BF5;
	[smem:$0x3FB4] =	sst s0  }
0x18: {  	s0 =	sld [smem:$0x3F97];
	_ =	swait.ge [sflag:s4], $0x0  }
0x19: {  	s7 =	sld [smem:$0x3F98]  }
0x1a: {  	s8 =	sadd.s32 $0xFFFFE003, lr  }
0x1b: {  	s9 =	sadd.s32 $0xFFFFFEF7, lr;
	s5 =	simm.s32 $0xFFFFFFFF;
	p2 =	slt.u32 s8, $0xFFFFF086  }
0x1c: {  	p1 =	slt.u32 s9, $0xF7A;
	s5 =	simm.s32 @!p2 $0x0  }
0x1d: {  	s5 =	simm.s32 @p1 $0x1;
	p0 =	seq.s32 s7, s2  }
0x1e: {  	s7 =	smul.u32 @!p0 $0xF7A, s2;
	p2 =	seq.s32 @!p0 s5, $0x0  }
0x1f: {  	s9 =	smul.u32 $0xF7A, s1;
	s8 =	simm.s32 @!p0 $0x1BF5;
	p2 =	por !p2, p0  }
0x20: {  	[sflag:s8] =	ssyncset.s32 @!p0 $0xFFFFF086;
	s6 =	sadd.s32 @!p0 s3, s7;
	s7 =	simm.s32 @!p0 $0x108  }
0x21: {  	s3 =	sadd.s32 s3, s9;
	s6 =	sadd.s32 @!p0 $0x88, s6;
	s7 =	simm.s32 @p2 $0x1082  }
0x22: {  	[simem:s7], [sflag:s8] =	dma.local @!p0 [hbm:s6], $0xF7A  }
0x23: {  	s9 =	sor.u32 $0xD0000000, s2;
	s6 =	simm.s32 $0x108;
	_ =	swait.ge @!p0 [sflag:s8], $0x0  }
0x24: {  	s3 =	sadd.s32 $0x88, s3;
	s6 =	simm.s32 @!p1 $0x1082;
	[sflag:s4] =	ssyncset.s32 $0xFFFFF086  }
0x25: {  	[simem:s6], [sflag:s4] =	dma.local [hbm:s3], $0xF7A  }
0x26: {  	[smem:$0x3F98] =	sst s1;
	(tag) =	ssettag s2;
	_ =	strace s9  }
0x27: {  	s1 =	sld [smem:$0x3FA8]  }
0x28: {  	s2 =	sld [smem:$0x3FA9]  }
0x29: {  	s4 =	sld [smem:$0x3FAB]  }
0x2a: {  	p0 =	seq.s32 s5, $0x0;
	s5 =	sld [smem:$0x3FAC]  }
0x2b: {  	s6 =	sld [smem:$0x3FAD]  }
0x2c: {  	s7 =	sld [smem:$0x3FAE]  }
0x2d: {  	s3 =	simm.s32 $0x108;
	s8 =	sld [smem:$0x3FAF]  }
0x2e: {  	s3 =	simm.s32 @!p0 $0x1082;
	s9 =	sld [smem:$0x3FB0]  }
0x2f: {  	lr =	sadd.s32 s0, s3;
	s0 =	sld [smem:$0x3FA7]  }
0x30: {  	s3 =	sld [smem:$0x3FAA]  }
0x31: {  	[smem:$0x3FB3] =	sst s10  }
0x32: {  	s10 =	sld [smem:$0x3FB1];
	_ =	sdelay $0x3  }
0x33: {  	p0 =	seq.s32 s10, $0x1;
	s10 =	sld [smem:$0x3FB3];
	_ =	sdelay $0x3  }
0x34: {  	[smem:$0x3FB3] =	sst s10  }
0x35: {  	s10 =	sld [smem:$0x3FB2];
	_ =	sdelay $0x3  }
0x36: {  	p1 =	seq.s32 s10, $0x1;
	s10 =	sld [smem:$0x3FB3];
	_ =	sdelay $0x3  }
0x37: {  	[smem:$0x3FB3] =	sst s10  }
0x38: {  	s10 =	sld [smem:$0x3FB4]  }
0x39: {  	_ = 	snop;
	(pc) =	sbr.ind lr, $3  }
0x3a: {  	_ = 	snop  }
0x3b: {  	_ = 	snop  }
0x3c: {  	p2 =	seq.s32 s10, $0x1;
	s10 =	sld [smem:$0x3FB3]  }
0x3d: {  	_ =	shalt  }
0x3e: {  	_ =	shalt  }
0x3f: {  	_ =	shalt  }
0x40: {  	_ =	shalt  }
0x41: {  	_ =	shalt  }
0x42: {  	_ =	shalt  }
0x43: {  	_ =	shalt  }
0x44: {  	_ =	shalt  }
0x45: {  	_ =	shalt  }
0x46: {  	_ =	shalt  }
0x47: {  	_ =	shalt  }
0x48: {  	_ =	shalt  }
0x49: {  	_ =	shalt  }
0x4a: {  	_ =	shalt  }
0x4b: {  	_ =	shalt  }
0x4c: {  	_ =	shalt  }
0x4d: {  	_ =	shalt  }
0x4e: {  	_ =	shalt  }
0x4f: {  	_ =	shalt  }
0x50: {  	_ =	shalt  }
0x51: {  	_ =	shalt  }
0x52: {  	_ =	shalt  }
0x53: {  	_ =	shalt  }
0x54: {  	_ =	shalt  }
0x55: {  	_ =	shalt  }
0x56: {  	_ =	shalt  }
0x57: {  	_ =	shalt  }
0x58: {  	_ =	shalt  }
0x59: {  	_ =	shalt  }
0x5a: {  	_ =	shalt  }
0x5b: {  	_ =	shalt  }
0x5c: {  	_ =	shalt  }
0x5d: {  	_ =	shalt  }
0x5e: {  	_ =	shalt  }
0x5f: {  	_ =	shalt  }
0x60: {  	_ =	shalt  }
0x61: {  	_ =	shalt  }
0x62: {  	_ =	shalt  }
0x63: {  	_ =	shalt  }
0x64: {  	_ =	shalt  }
0x65: {  	_ =	shalt  }
0x66: {  	_ =	shalt  }
0x67: {  	_ =	shalt  }
0x68: {  	_ =	shalt  }
0x69: {  	_ =	shalt  }
0x6a: {  	_ =	shalt  }
0x6b: {  	_ =	shalt  }
0x6c: {  	_ =	shalt  }
0x6d: {  	_ =	shalt  }
0x6e: {  	_ =	shalt  }
0x6f: {  	_ =	shalt  }
0x70: {  	_ =	shalt  }
0x71: {  	_ =	shalt  }
0x72: {  	_ =	shalt  }
0x73: {  	_ =	shalt  }
0x74: {  	_ =	shalt  }
0x75: {  	_ =	shalt  }
0x76: {  	_ =	shalt  }
0x77: {  	_ =	shalt  }
0x78: {  	_ =	shalt  }
0x79: {  	_ =	shalt  }
0x7a: {  	_ =	shalt  }
0x7b: {  	_ =	shalt  }
0x7c: {  	_ =	shalt  }
0x7d: {  	_ =	shalt  }
0x7e: {  	_ =	shalt  }
0x7f: {  	_ =	shalt  }
0x80: {  	_ =	shalt  }
0x81: {  	_ =	shalt  }
0x82: {  	_ =	shalt  }
0x83: {  	_ =	shalt  }
0x84: {  	_ =	shalt  }
0x85: {  	_ =	shalt  }
0x86: {  	_ =	shalt  }
0x87: {  	_ =	shalt  }
.Lfunc_end0:
.L_simem_size_0:
called_computation_lowered:
.L_overlay_start_0:
0x88: {  	s2 =	sld [smem:$0x3FD9]  }
0x89: {  	s3 =	sld [smem:$0x3FFE];
	_ =	sdelay $0x1  }
0x8a: {  	s1 =	srdreg.scid  }
0x8b: {  	s0 =	sand.u32 $0x1, s1  }
0x8c: {  	s16 =	sshll.u32 s0, $0xA;
	s2 =	sadd.s32 s3, s2  }
0x8d: {  	s2 =	sadd.s32 s2, s16  }
0x8e: {  	[smem:$0x3FBF] =	sst s2  }
0x8f: {  	_ = 	snop  }
0x90: {  	(tm) =	ssettm $0x1  }
0x91: {  	s17 =	sld [smem:$0x3FFB];
	_ =	sdelay $0x3  }
0x92: {  	_ =	strace s17  }
0x93: {  	s2 =	sld [smem:$0x3FFC];
	_ =	sdelay $0x3  }
0x94: {  	_ =	strace s2  }
0x95: {  	s2 =	sld [smem:$0x3FFD];
	_ =	sdelay $0x3  }
0x96: {  	_ =	strace s2  }
0x97: {  	_ =	strace $0x8FFFFFFF  }
0x98: {  	s18 =	sld [smem:$0x3FDB];
	_ =	sdelay $0x1  }
0x99: {  	s19 =	simm.s32 $_scs_section_size  }
0x9a: {  	s4 =	simm.s32 $_size__tile_overlayer_lowered;
	s5 =	simm.s32 $_tile_overlayer_lowered  }
0x9b: {  	s22 =	simm.s32 $0x1BFF;
	s21 =	sshll.u32 s5, $0x1;
	s2 =	sadd.s32 s19, s18  }
0x9c: {  	s6 =	simm.s32 $0x0;
	s20 =	sshll.u32 s4, $0x1;
	s4 =	sadd.s32 s21, s2  }
0x9d: {  	[timem:s6], [sflag:s22] =	dma.local [hbm:s4], s20  }
0x9e: {  	_ =	swait.ge [sflag:s22], s20  }
0x9f: {  	s3 =	ssub.s32 $0x0, s20;
	[sflag:s22] =	ssyncset.done $0x0  }
0xa0: {  	[sflag:s22] =	ssyncadd.s32 s3;
	_ =	sdelay $0x1  }
0xa1: {  	s23 =	simm.s32 $0x1B8B  }
0xa2: {  	_ =	swait.ge [sflag:s23], $0x1  }
0xa3: {  	[sflag:s23] =	ssyncset.done $0x0  }
0xa4: {  	s25 =	simm.s32 $0x1B8E;
	s24 =	sld [smem:$0x3FFE];
	[sflag:s23] =	ssyncadd.s32 $0xFFFFFFFF  }
0xa5: {  	s26 =	simm.s32 $execute0_lowered;
	[smem:$0x3FD2] =	sst s25  }
0xa6: {  	s4 =	sshll.u32 s26, $0x1;
	_ =	strace $0x80000046;
	[dreg:$0x1] =	wrdreg $0xFFFFFFFF  }
0xa7: {  	s28 =	simm.s32 $_size_execute0_lowered;
	s2 =	sadd.s32 s2, s4;
	[dreg:$0x0] =	wrdreg $0x0  }
0xa8: {  	s4 =	sshll.u32 s28, $0x1;
	[dreg:$0x2] =	wrdreg s2  }
0xa9: {  	[dreg:$0x3] =	wrdreg s4  }
0xaa: {  	[dreg:$0x4] =	wrdreg $0xC0  }
0xab: {  	_ =	task [dreg:s6], $0x5FFFF  }
0xac: {  	[dreg:$0x1] =	wrdreg $0xFFFFFFFF  }
0xad: {  	[dreg:$0x0] =	wrdreg $0x60  }
0xae: {  	[dreg:$0x2] =	wrdreg s24  }
0xaf: {  	[dreg:$0x3] =	wrdreg $0x68000  }
0xb0: {  	[dreg:$0x4] =	wrdreg $0x9  }
0xb1: {  	_ =	task.clear_ibuf [dreg:s6], $0x5FFFF;
	_ =	strace $0x90000046  }
0xb2: {  	s29 =	simm.s32 $0x9;
	_ =	strace $0x80000048  }
0xb3: {  	_ =	swait.ge [sflag:s29], $0x1  }
0xb4: {  	[sflag:s29] =	ssyncadd.s32 $0xFFFFFFFF  }
0xb5: {  	_ =	strace $0x90000048  }
0xb6: {  	_ =	sfence  }
0xb7: {  	s30 =	sld [smem:$0x0];
	_ =	sdelay $0x2  }
0xb8: {  	s31 =	sshll.u32 s1, $0xD;
	s1 =	sshrl.u32 s1, $0x2  }
0xb9: {  	s3 =	sand.u32 $0x4000, s31;
	s1 =	sadd.s32 s1, s30  }
0xba: {  	s0 =	sor.u32 s3, s0;
	s1 =	sshll.u32 s1, $0x11  }
0xbb: {  	s0 =	sor.u32 s1, s0  }
0xbc: {  	s0 =	sadd.s32 $0x8F2B, s0  }
0xbd: {  	[sflag:s0] =	ssyncadd.remote.s32 $0x1  }
0xbe: {  	_ =	sfence.sel $0xFFFF  }
0xbf: {  	[dreg:$0x0] =	wrdreg $0xFFFFFFFF;
	(pc) =	sbr.abs _section_cstart, $3  }
0xc0: {  	[dreg:$0x1] =	wrdreg $0xFFFFFFFF  }
0xc1: {  	_ =	task.clear_ibuf [dreg:s6], $0x2FFFF;
	_ =	strace $0x9FFFFFFF  }
0xc2: {  	(tm) =	ssettm $0x7FFFFFFF  }
0xc3: {  	_ =	shalt  }
tec
execute0_lowered:
.L_overlay_start_1:
0x0: {  	(tag) =	ssettag $0x1  }
0x1: {  	s0 =	srdreg.scid;
	s7 =	rddreg [dreg:$0x0]  }
0x2: {  	s2 =	rddreg [dreg:$0x1];
	s4 =	sand.u32 $0x1, s0;
	s0 =	stileid.u32  }
0x3: {  	s3 =	simm.s32 $0x0;
	s17 =	simm.s32 $0x0;
	s15 =	smul.u32 $0x2700, s0  }
0x4: {  	[smem:$0x7FF] =	sst s3;
	s14 =	sadd.s32 $0x138000, s2;
	s6 =	smul.u32 $0x27100, s4  }
0x5: {  	s1 =	sshll.u32 s4, $0x4;
	s8 =	ssub.s32 $0x2, s4;
	s9 =	smul.u32 $0x4E000, s0  }
0x6: {  	s4 =	sadd.s32 $0x33600, s7;
	p0 =	sne.s32 s0, $0xF;
	s31 =	sshll.u32 s0, $0x6  }
0x7: {  	s5 =	sor.u32 s0, s1;
	s1 =	rddreg [dreg:$0x2];
	_ =	strace $0x80000047  }
0x8: {  	s11 =	sshrl.u32 s8, $0x1;
	s5 =	smul.u32 $0x500, s5;
	s10 =	sadd.s32 s15, s7  }
0x9: {  	s12 =	sadd.s32 s6, s7;
	s8 =	ssub.s32 s8, s11;
	s30 =	sshrl.u32 s9, $0x2  }
0xa: {  	s9 =	simm.s32 $0x1;
	s11 =	sor.u32 $0x1C01, s31;
	s13 =	sadd.s32 s30, s2  }
0xb: {  	s6 =	sadd.s32 $0xC400, s10;
	s16 =	sadd.s32 $0x33E00, s12;
	s8 =	smax.u32 s8, $0x1  }
0xc: {  	s10 =	simm.s32 $0x2800;
	s5 =	sadd.s32 s5, s7;
	s7 =	sadd.s32 $0x33400, s7  }
0xd: {  	s12 =	sshrl.u32 s13, $0x3;
	s13 =	sshrl.u32 @!p0 s14, $0x3;
	s14 =	simm.s32 $0x7D  }
0xe: {  	s15 =	sadd.s32 s15, s16;
	s16 =	sadd.s32 @!p0 $0x27000, s16;
	s5 =	sadd.s32 $0x2400, s5  }
.LBB2_1:
0xf: {  	[tilespmem:s3], [sflag:$0x1] =	stream.linear.gather [hbm4b:s5+s3], $0x2800, $0x38;
	[tilespmem:$0x1A080] =	vst v63  }
0x10: {  	_ =	swait.ge [sflag:s9], $0x2800  }
0x11: {  	[sflag:s9] =	ssyncset.done $0x0  }
0x12: {  	[sflag:s9] =	ssyncadd.s32 $0xFFFFD800  }
0x13: {  	[tilespmem:s10], [sflag:$0x1] =	stream.linear.gather [hbm4b:s4+s3], $0x3E80, $0x38;
	[tilespmem:$0x1A080] =	vst v63  }
0x14: {  	_ =	swait.ge [sflag:s9], $0x3E80  }
0x15: {  	[sflag:s9] =	ssyncset.done $0x0  }
0x16: {  	[sflag:s9] =	ssyncadd.s32 $0xFFFFC180  }
0x17: {  	[spmem:s12], [sflag:s11] =	dma.local [hbm:s6], $0x2700  }
0x18: {  	_ =	swait.ge [sflag:s9], $0x2700  }
0x19: {  	[sflag:s9] =	ssyncset.done $0x0  }
0x1a: {  	s18 =	simm.s32 @!p0 $0x1;
	[sflag:s9] =	ssyncadd.s32 $0xFFFFD900  }
0x1b: {  	[spmem:s13], [sflag:s11] =	dma.local @!p0 [hbm:s7], $0x100  }
0x1c: {  	_ =	swait.ge @!p0 [sflag:s18], $0x100  }
0x1d: {  	[sflag:s18] =	ssyncset.done @!p0 $0x0  }
0x1e: {  	[sflag:s18] =	ssyncadd.s32 @!p0 $0xFFFFFF00  }
0x1f: {  	s31 =	simm.s32 $0x0;
	[bflag:$0x0] =	sbarrier.arrive $0xFFFF  }
0x20: {  	[spmem:s2] =	stream.indirect.scatter.add.f32 [tilespmem:s10], [sflag:$0x1], $0x80, s31, s14, $0xb8;
	[tilespmem:$0x1A080] =	vst v63  }
0x21: {  	_ =	swait.ge [sflag:s9], $0x3E80  }
0x22: {  	s18 =	simm.s32 $0x200;
	[sflag:s9] =	ssyncset.done $0x0  }
.LBB2_2:
0x23: {  	s19 =	sshra.s32 s18, $0x2;
	[sflag:s9] =	ssyncadd.s32 $0xFFFFC180;
	p1 =	sne.s32 s18, $0x9E00  }
0x24: {  	[spmem:s2] =	stream.indirect.scatter.add.f32 [tilespmem:s10], [sflag:$0x1], $0x80, s19, s14, $0xb8;
	[tilespmem:$0x1A080] =	vst v63  }
.Ltmp0:
0x25: {  	_ = 	snop;
	(pc) =	sbr.rel @p1 .LBB2_2-.Ltmp0, $4  }
0x26: {  	_ = 	snop  }
0x27: {  	s18 =	sadd.s32 $0x200, s18  }
0x28: {  	_ =	swait.ge [sflag:s9], $0x3E80  }
0x29: {  	[sflag:s9] =	ssyncset.done $0x0  }
0x2a: {  	[sflag:s9] =	ssyncadd.s32 $0xFFFFC180  }
0x2b: {  	[bflag:$0x0] =	sbarrier.arrive $0xFFFF  }
0x2c: {  	[hbm:s15], [sflag:s11] =	dma.local [spmem:s12], $0x2700  }
0x2d: {  	s17 =	sadd.s32 $0x1, s17;
	_ =	swait.ge [sflag:s9], $0x2700  }
0x2e: {  	p1 =	sne.s32 s17, s8;
	[sflag:s9] =	ssyncset.done $0x0  }
.Ltmp1:
0x2f: {  	s18 =	simm.s32 @!p0 $0x1;
	[sflag:s9] =	ssyncadd.s32 $0xFFFFD900;
	(pc) =	sbr.rel @p1 .LBB2_1-.Ltmp1, $4  }
0x30: {  	[hbm:s16], [sflag:s11] =	dma.local @!p0 [spmem:s13], $0x100  }
0x31: {  	_ =	swait.ge @!p0 [sflag:s18], $0x100  }
0x32: {  	[sflag:s18] =	ssyncset.done @!p0 $0x0  }
0x33: {  	[sflag:s18] =	ssyncadd.s32 @!p0 $0xFFFFFF00  }
0x34: {  	_ =	sfence.sel $0x180000  }
0x35: {  	[bflag:$0x0] =	sbarrier.arrive $0xFFFF  }
0x36: {  	p0 =	sne.s32 s0, $0x0;
	_ =	strace $0x90000047  }
0x37: {  	s0 =	sadd.s32 @!p0 $0x100000, s1;
	[bflag:$0x2] =	sbarrier.arrive $0xFFFF  }
0x38: {  	[sflag:s0] =	ssyncadd.tile.s32 @!p0 $0x1;
	_ =	shalt  }
.Lfunc_end2:
_tile_overlayer_lowered:
.L_overlay_start_2:
0x39: {  	(tag) =	ssettag $0x2  }
0x3a: {  	s0 =	rddreg [dreg:$0x0];
	s2 =	stileid.u32  }
0x3b: {  	s1 =	rddreg [dreg:$0x1];
	p0 =	sne.s32 s2, $0x0  }
0x3c: {  	s3 =	rddreg [dreg:$0x2];
	[bflag:$0x3] =	sbarrier.arrive $0xFFFF;
	s2 =	simm.s32 @!p0 $0x1C01  }
0x3d: {  	[timem:s3], [sflag:s2] =	dma.local @!p0 [hbm:s0], s1  }
0x3e: {  	s0 =	simm.s32 @!p0 $0x1  }
0x3f: {  	_ =	swait.ge @!p0 [sflag:s0], s1  }
0x40: {  	s1 =	ssub.s32 @!p0 $0x0, s1;
	[sflag:s0] =	ssyncset.done @!p0 $0x0  }
0x41: {  	[sflag:s0] =	ssyncadd.s32 @!p0 s1  }
0x42: {  	[bflag:$0x3] =	sbarrier.arrive $0xFFFF  }
0x43: {  	_ =	shalt  }

</sc_bundles>
